<compile_context>
chip_gen: v7x
topology: tpu7x:2x2x1
jax: 0.10.2.dev20260603
libtpu: 0.0.44.dev20260713+nightly
codegen_flags: <defaults>
</compile_context>

<pallas_src>
import functools

import jax
import jax.numpy as jnp
from jax import lax
from jax.experimental import pallas as pl
from jax.experimental.pallas import tpu as pltpu
from jax.experimental.pallas import tpu_sc as plsc

N = 10000
D = 128
H1 = 32
H2 = 16

NC = 2
NS = 16
NW = NC * NS
L = 16

CHUNK = 512
NBUF = 2
IPB = 128
NIDX = CHUNK // IPB



def _tables_body(f_ref, wnb_ref, bnb_ref, wself_ref, bself_ref,
                 wa1t_ref, wa1b_ref, ba1_ref, g1_ref, g2_ref):
    x = f_ref[...]
    h1 = jnp.maximum(
        jnp.dot(x, wnb_ref[...], preferred_element_type=jnp.float32)
        + bnb_ref[...], 0.0)
    h2 = jnp.maximum(
        jnp.dot(x, wself_ref[...], preferred_element_type=jnp.float32)
        + bself_ref[...], 0.0)
    g1_ref[...] = (jnp.dot(h1, wa1t_ref[...], preferred_element_type=jnp.float32)
                   + ba1_ref[...])
    g2_ref[...] = jnp.dot(h2, wa1b_ref[...], preferred_element_type=jnp.float32)


def _node_tables(features, W_nb, b_nb, W_self, b_self, W_a1, b_a1):
    n = features.shape[0]
    blk = 1000
    grid = n // blk
    full = lambda shape: pl.BlockSpec(shape, lambda i: (0, 0))
    return pl.pallas_call(
        _tables_body,
        grid=(grid,),
        in_specs=[
            pl.BlockSpec((blk, D), lambda i: (i, 0)),
            full((D, H1)), full((1, H1)),
            full((D, H1)), full((1, H1)),
            full((H1, H2)), full((H1, H2)), full((1, H2)),
        ],
        out_specs=[
            pl.BlockSpec((blk, H2), lambda i: (i, 0)),
            pl.BlockSpec((blk, H2), lambda i: (i, 0)),
        ],
        out_shape=[
            jax.ShapeDtypeStruct((n, H2), jnp.float32),
            jax.ShapeDtypeStruct((n, H2), jnp.float32),
        ],
    )(features, W_nb, b_nb.reshape(1, H1), W_self, b_self.reshape(1, H1),
      W_a1[:H1], W_a1[H1:], b_a1.reshape(1, H2))



def _edge_body(epw, src_hbm, dst_hbm, g1_hbm, g2_hbm, pack_hbm, out_hbm,
               src_v, dst_v, r1_v, r2_v, out_v, pk_v, g1_sh, g2_sh,
               sem1, sem2):
    wid = lax.axis_index("s") * NC + lax.axis_index("c")
    base = wid * epw
    nchunk = epw // CHUNK

    @pl.when(lax.axis_index("s") == 0)
    def _():
        pltpu.sync_copy(g1_hbm, g1_sh)
        pltpu.sync_copy(g2_hbm, g2_sh)
    plsc.subcore_barrier()

    pltpu.sync_copy(pack_hbm, pk_v)
    iota = lax.iota(jnp.int32, L)
    w2s = [pk_v[k, :] for k in range(L)]
    b2s = pk_v[L, :]

    def issue(ci, buf):
        row0 = wid * (epw // IPB) + ci * NIDX
        pltpu.sync_copy(src_hbm.at[pl.ds(row0, NIDX)], src_v.at[buf])
        pltpu.sync_copy(dst_hbm.at[pl.ds(row0, NIDX)], dst_v.at[buf])
        for j in range(NIDX):
            pltpu.async_copy(g1_sh.at[src_v.at[buf, j]],
                             r1_v.at[buf, pl.ds(j * IPB, IPB), :], sem1.at[buf])
            pltpu.async_copy(g2_sh.at[dst_v.at[buf, j]],
                             r2_v.at[buf, pl.ds(j * IPB, IPB), :], sem2.at[buf])

    def drain(buf):
        for j in range(NIDX):
            pltpu.make_async_copy(g1_sh.at[src_v.at[buf, j]],
                                  r1_v.at[buf, pl.ds(j * IPB, IPB), :],
                                  sem1.at[buf]).wait()
            pltpu.make_async_copy(g2_sh.at[dst_v.at[buf, j]],
                                  r2_v.at[buf, pl.ds(j * IPB, IPB), :],
                                  sem2.at[buf]).wait()

    for b in range(NBUF):
        issue(b, b)

    def chunk_body(ci, carry):
        buf = lax.rem(ci, NBUF)
        drain(buf)

        def group_body(g, carry2):
            ridx = g * L + iota
            terms = []
            for k in range(L):
                a = plsc.load_gather(
                    r1_v.at[buf], [ridx, jnp.full((L,), k, jnp.int32)])
                b = plsc.load_gather(
                    r2_v.at[buf], [ridx, jnp.full((L,), k, jnp.int32)])
                terms.append(jnp.maximum(a + b, 0.0) * w2s[k])
            while len(terms) > 1:
                terms = [terms[i] + terms[i + 1]
                         for i in range(0, len(terms), 2)]
            out_v[pl.ds(g * L, L)] = terms[0] + b2s
            return carry2

        lax.fori_loop(0, CHUNK // L, group_body, 0)
        pltpu.sync_copy(out_v, out_hbm.at[pl.ds(base + ci * CHUNK, CHUNK)])

        @pl.when(ci + NBUF < nchunk)
        def _():
            issue(ci + NBUF, buf)

        return carry

    lax.fori_loop(0, nchunk, chunk_body, 0)


def _edge_call(e_pad, src2d, dst2d, g1, g2, pack):
    epw = e_pad // NW
    mesh = plsc.VectorSubcoreMesh(core_axis_name="c", subcore_axis_name="s")
    return pl.kernel(
        functools.partial(_edge_body, epw),
        out_type=jax.ShapeDtypeStruct((e_pad,), jnp.float32),
        mesh=mesh,
        compiler_params=pltpu.CompilerParams(
            needs_layout_passes=False, use_tc_tiling_on_sc=False),
        scratch_types=[
            pltpu.VMEM((NBUF, NIDX, IPB), jnp.int32),
            pltpu.VMEM((NBUF, NIDX, IPB), jnp.int32),
            pltpu.VMEM((NBUF, CHUNK, L), jnp.float32),
            pltpu.VMEM((NBUF, CHUNK, L), jnp.float32),
            pltpu.VMEM((CHUNK,), jnp.float32),
            pltpu.VMEM((L + 2, L), jnp.float32),
            pltpu.VMEM_SHARED((N, L), jnp.float32),
            pltpu.VMEM_SHARED((N, L), jnp.float32),
            pltpu.SemaphoreType.DMA((NBUF,)),
            pltpu.SemaphoreType.DMA((NBUF,)),
        ],
    )(src2d, dst2d, g1, g2, pack)


def kernel(inputs, features, W_nb, b_nb, W_self, b_self, W_a1, b_a1, W_a2, b_a2):
    e = inputs.shape[0]
    grain = NW * CHUNK
    e_pad = ((e + grain - 1) // grain) * grain

    src = inputs[:, 0].astype(jnp.int32)
    dst = inputs[:, 1].astype(jnp.int32)
    pad = e_pad - e
    src = jnp.concatenate([src, jnp.zeros((pad,), jnp.int32)])
    dst = jnp.concatenate([dst, jnp.zeros((pad,), jnp.int32)])
    src2d = src.reshape(e_pad // IPB, IPB)
    dst2d = dst.reshape(e_pad // IPB, IPB)

    g1, g2 = _node_tables(features, W_nb, b_nb, W_self, b_self, W_a1, b_a1)
    pack = jnp.concatenate([
        jnp.broadcast_to(W_a2[:, 0:1], (L, L)),
        jnp.broadcast_to(b_a2, (2, L)),
    ])

    out = _edge_call(e_pad, src2d, dst2d, g1, g2, pack)
    return out[:e, None]

# --- scband reference (transcript-rebuilt; emitter-appended) ---
"""Pipeline reference for scband-edge-net-27590869910157 (READ-ONLY COPY).

The authoritative reference and input builder live on the scoring server;
editing this copy changes nothing except your own understanding.
"""

import jax, jax.numpy as jnp
import numpy as np

N = 10000
E = 320000
D = 128
H1 = 32
H2 = 16


def _glorot(key, shape):
    fan_in, fan_out = shape[0], shape[1]
    std = jnp.sqrt(2.0 / (fan_in + fan_out))
    return jax.random.normal(key, shape, dtype=jnp.float32) * std


def setup_inputs(seed: int = 0) -> dict:
    key = jax.random.key(seed)
    ks = jax.random.split(key, 10)
    features = jax.random.normal(ks[0], (N, D), dtype=jnp.float32)
    inputs = jax.random.randint(ks[1], (E, 2), 0, N)
    W_nb = _glorot(ks[2], (D, H1))
    b_nb = jnp.zeros((H1,), dtype=jnp.float32)
    W_self = _glorot(ks[3], (D, H1))
    b_self = jnp.zeros((H1,), dtype=jnp.float32)
    W_a1 = _glorot(ks[4], (2 * H1, H2))
    b_a1 = jnp.zeros((H2,), dtype=jnp.float32)
    W_a2 = _glorot(ks[5], (H2, 1))
    b_a2 = jnp.zeros((1,), dtype=jnp.float32)
    return {
        "inputs": inputs,
        "features": features,
        "W_nb": W_nb,
        "b_nb": b_nb,
        "W_self": W_self,
        "b_self": b_self,
        "W_a1": W_a1,
        "b_a1": b_a1,
        "W_a2": W_a2,
        "b_a2": b_a2,
    }


def reference(inputs, features, W_nb, b_nb, W_self, b_self, W_a1, b_a1, W_a2, b_a2):
    # gather endpoint features for each edge (tf.gather)
    f1 = jnp.take(features, inputs[:, 0], axis=0)
    f2 = jnp.take(features, inputs[:, 1], axis=0)
    # nb_layer / selflayer (Dense + relu); training=False -> no dropout
    i1 = jax.nn.relu(f1 @ W_nb + b_nb)
    i2 = jax.nn.relu(f2 @ W_self + b_self)
    x = jnp.concatenate([i1, i2], axis=1)
    # attention MLP: hidden_2 Dense with relu, then Dense(1) with identity activation
    x = jax.nn.relu(x @ W_a1 + b_a1)
    out = x @ W_a2 + b_a2
    return out

if __name__ == "__main__":
    import jax
    _d = setup_inputs()
    print(jax.jit(kernel)(*tuple(_d.values())))

</pallas_src>

<mosaic_0001>
#map = affine_map<(d0, d1) -> (0, 0)>
#map1 = affine_map<(d0, d1) -> (0)>
module attributes {stable_mosaic.version = 14 : i64} {
  func.func @_edge_body(%arg0: i32, %arg1: i32, %arg2: memref<2560x128xi32, #tpu.memory_space<hbm>>, %arg3: memref<2560x128xi32, #tpu.memory_space<hbm>>, %arg4: memref<10000x16xf32, #tpu.memory_space<hbm>>, %arg5: memref<10000x16xf32, #tpu.memory_space<hbm>>, %arg6: memref<18x16xf32, #tpu.memory_space<hbm>>, %arg7: memref<327680xf32, #tpu.memory_space<hbm>>, %arg8: memref<2x4x128xi32, #tpu.memory_space<vmem>>, %arg9: memref<2x4x128xi32, #tpu.memory_space<vmem>>, %arg10: memref<2x512x16xf32, #tpu.memory_space<vmem>>, %arg11: memref<2x512x16xf32, #tpu.memory_space<vmem>>, %arg12: memref<512xf32, #tpu.memory_space<vmem>>, %arg13: memref<18x16xf32, #tpu.memory_space<vmem>>, %arg14: memref<10000x16xf32, #tpu.memory_space<vmem_shared>>, %arg15: memref<10000x16xf32, #tpu.memory_space<vmem_shared>>, %arg16: memref<2x!tpu.dma_semaphore, #tpu.memory_space<semaphore_mem>>, %arg17: memref<2x!tpu.dma_semaphore, #tpu.memory_space<semaphore_mem>>) attributes {dimension_semantics = [#tpu.dimension_semantics<core_parallel>, #tpu.dimension_semantics<subcore_parallel>], iteration_bounds = array<i64: 2, 16>, scalar_prefetch = 0 : i64, scratch_operands = 10 : i64, tpu.core_type = #tpu.core_type<sc_vector_subcore>, window_params = [{transform_indices = #map}, {transform_indices = #map}, {transform_indices = #map}, {transform_indices = #map}, {transform_indices = #map}, {transform_indices = #map1}]} {
    %mul3A = arith.constant 2 : i32
    %mul3A_0 = arith.muli %arg1, %mul3A : i32
    %add3A = arith.addi %mul3A_0, %arg0 : i32
    %mul3A_1 = arith.constant 10240 : i32
    %mul3A_2 = arith.muli %add3A, %mul3A_1 : i32
    %eq3A = arith.constant 0 : i32
    %eq3A_3 = arith.cmpi eq, %arg1, %eq3A : i32
    %convert_element_type3A = arith.extui %eq3A_3 : i1 to i32
    %cond3A = arith.constant 0 : i32
    %cond3A_4 = arith.cmpi ne, %convert_element_type3A, %cond3A : i32
    scf.if %cond3A_4 {
      "tpu.region"() ({
        %run_scoped3A_343 = tpu.sem_alloc : memref<!tpu.dma_semaphore, #tpu.memory_space<semaphore_mem>>
        tpu.enqueue_dma source(%arg4 : memref<10000x16xf32, #tpu.memory_space<hbm>>) target(%arg14 : memref<10000x16xf32, #tpu.memory_space<vmem_shared>>) target_semaphore(%run_scoped3A_343 : memref<!tpu.dma_semaphore, #tpu.memory_space<semaphore_mem>>)
        tpu.wait_dma2 semaphore(%run_scoped3A_343 : memref<!tpu.dma_semaphore, #tpu.memory_space<semaphore_mem>>) src(%arg4 : memref<10000x16xf32, #tpu.memory_space<hbm>>) dst(%arg14 : memref<10000x16xf32, #tpu.memory_space<vmem_shared>>)
        tpu.yield
      }) : () -> ()
      "tpu.region"() ({
        %run_scoped3A_343 = tpu.sem_alloc : memref<!tpu.dma_semaphore, #tpu.memory_space<semaphore_mem>>
        tpu.enqueue_dma source(%arg5 : memref<10000x16xf32, #tpu.memory_space<hbm>>) target(%arg15 : memref<10000x16xf32, #tpu.memory_space<vmem_shared>>) target_semaphore(%run_scoped3A_343 : memref<!tpu.dma_semaphore, #tpu.memory_space<semaphore_mem>>)
        tpu.wait_dma2 semaphore(%run_scoped3A_343 : memref<!tpu.dma_semaphore, #tpu.memory_space<semaphore_mem>>) src(%arg5 : memref<10000x16xf32, #tpu.memory_space<hbm>>) dst(%arg15 : memref<10000x16xf32, #tpu.memory_space<vmem_shared>>)
        tpu.yield
      }) : () -> ()
    } else {
    }
    %barrier3A = arith.constant 0 : index
    tpu.barrier barrier_id(%barrier3A)
    "tpu.region"() ({
      %run_scoped3A_343 = tpu.sem_alloc : memref<!tpu.dma_semaphore, #tpu.memory_space<semaphore_mem>>
      tpu.enqueue_dma source(%arg6 : memref<18x16xf32, #tpu.memory_space<hbm>>) target(%arg13 : memref<18x16xf32, #tpu.memory_space<vmem>>) target_semaphore(%run_scoped3A_343 : memref<!tpu.dma_semaphore, #tpu.memory_space<semaphore_mem>>)
      tpu.wait_dma2 semaphore(%run_scoped3A_343 : memref<!tpu.dma_semaphore, #tpu.memory_space<semaphore_mem>>) src(%arg6 : memref<18x16xf32, #tpu.memory_space<hbm>>) dst(%arg13 : memref<18x16xf32, #tpu.memory_space<vmem>>)
      tpu.yield
    }) : () -> ()
    %iota3A = tpu.iota {dimensions = array<i32: 0>} : vector<16xi32>
    %get3A = arith.constant 0 : i32
    %get3A_5 = arith.index_cast %get3A : i32 to index
    %get3A_6 = arith.constant 0 : index
    %get3A_7 = tpu.vector_load %arg13[%get3A_5, %get3A_6] {strides = array<i32>} : memref<18x16xf32, #tpu.memory_space<vmem>>, vector<16xf32>,
    %get3A_8 = arith.constant 1 : i32
    %get3A_9 = arith.index_cast %get3A_8 : i32 to index
    %get3A_10 = arith.constant 0 : index
    %get3A_11 = tpu.vector_load %arg13[%get3A_9, %get3A_10] {strides = array<i32>} : memref<18x16xf32, #tpu.memory_space<vmem>>, vector<16xf32>,
    %get3A_12 = arith.constant 2 : i32
    %get3A_13 = arith.index_cast %get3A_12 : i32 to index
    %get3A_14 = arith.constant 0 : index
    %get3A_15 = tpu.vector_load %arg13[%get3A_13, %get3A_14] {strides = array<i32>} : memref<18x16xf32, #tpu.memory_space<vmem>>, vector<16xf32>,
    %get3A_16 = arith.constant 3 : i32
    %get3A_17 = arith.index_cast %get3A_16 : i32 to index
    %get3A_18 = arith.constant 0 : index
    %get3A_19 = tpu.vector_load %arg13[%get3A_17, %get3A_18] {strides = array<i32>} : memref<18x16xf32, #tpu.memory_space<vmem>>, vector<16xf32>,
    %get3A_20 = arith.constant 4 : i32
    %get3A_21 = arith.index_cast %get3A_20 : i32 to index
    %get3A_22 = arith.constant 0 : index
    %get3A_23 = tpu.vector_load %arg13[%get3A_21, %get3A_22] {strides = array<i32>} : memref<18x16xf32, #tpu.memory_space<vmem>>, vector<16xf32>,
    %get3A_24 = arith.constant 5 : i32
    %get3A_25 = arith.index_cast %get3A_24 : i32 to index
    %get3A_26 = arith.constant 0 : index
    %get3A_27 = tpu.vector_load %arg13[%get3A_25, %get3A_26] {strides = array<i32>} : memref<18x16xf32, #tpu.memory_space<vmem>>, vector<16xf32>,
    %get3A_28 = arith.constant 6 : i32
    %get3A_29 = arith.index_cast %get3A_28 : i32 to index
    %get3A_30 = arith.constant 0 : index
    %get3A_31 = tpu.vector_load %arg13[%get3A_29, %get3A_30] {strides = array<i32>} : memref<18x16xf32, #tpu.memory_space<vmem>>, vector<16xf32>,
    %get3A_32 = arith.constant 7 : i32
    %get3A_33 = arith.index_cast %get3A_32 : i32 to index
    %get3A_34 = arith.constant 0 : index
    %get3A_35 = tpu.vector_load %arg13[%get3A_33, %get3A_34] {strides = array<i32>} : memref<18x16xf32, #tpu.memory_space<vmem>>, vector<16xf32>,
    %get3A_36 = arith.constant 8 : i32
    %get3A_37 = arith.index_cast %get3A_36 : i32 to index
    %get3A_38 = arith.constant 0 : index
    %get3A_39 = tpu.vector_load %arg13[%get3A_37, %get3A_38] {strides = array<i32>} : memref<18x16xf32, #tpu.memory_space<vmem>>, vector<16xf32>,
    %get3A_40 = arith.constant 9 : i32
    %get3A_41 = arith.index_cast %get3A_40 : i32 to index
    %get3A_42 = arith.constant 0 : index
    %get3A_43 = tpu.vector_load %arg13[%get3A_41, %get3A_42] {strides = array<i32>} : memref<18x16xf32, #tpu.memory_space<vmem>>, vector<16xf32>,
    %get3A_44 = arith.constant 10 : i32
    %get3A_45 = arith.index_cast %get3A_44 : i32 to index
    %get3A_46 = arith.constant 0 : index
    %get3A_47 = tpu.vector_load %arg13[%get3A_45, %get3A_46] {strides = array<i32>} : memref<18x16xf32, #tpu.memory_space<vmem>>, vector<16xf32>,
    %get3A_48 = arith.constant 11 : i32
    %get3A_49 = arith.index_cast %get3A_48 : i32 to index
    %get3A_50 = arith.constant 0 : index
    %get3A_51 = tpu.vector_load %arg13[%get3A_49, %get3A_50] {strides = array<i32>} : memref<18x16xf32, #tpu.memory_space<vmem>>, vector<16xf32>,
    %get3A_52 = arith.constant 12 : i32
    %get3A_53 = arith.index_cast %get3A_52 : i32 to index
    %get3A_54 = arith.constant 0 : index
    %get3A_55 = tpu.vector_load %arg13[%get3A_53, %get3A_54] {strides = array<i32>} : memref<18x16xf32, #tpu.memory_space<vmem>>, vector<16xf32>,
    %get3A_56 = arith.constant 13 : i32
    %get3A_57 = arith.index_cast %get3A_56 : i32 to index
    %get3A_58 = arith.constant 0 : index
    %get3A_59 = tpu.vector_load %arg13[%get3A_57, %get3A_58] {strides = array<i32>} : memref<18x16xf32, #tpu.memory_space<vmem>>, vector<16xf32>,
    %get3A_60 = arith.constant 14 : i32
    %get3A_61 = arith.index_cast %get3A_60 : i32 to index
    %get3A_62 = arith.constant 0 : index
    %get3A_63 = tpu.vector_load %arg13[%get3A_61, %get3A_62] {strides = array<i32>} : memref<18x16xf32, #tpu.memory_space<vmem>>, vector<16xf32>,
    %get3A_64 = arith.constant 15 : i32
    %get3A_65 = arith.index_cast %get3A_64 : i32 to index
    %get3A_66 = arith.constant 0 : index
    %get3A_67 = tpu.vector_load %arg13[%get3A_65, %get3A_66] {strides = array<i32>} : memref<18x16xf32, #tpu.memory_space<vmem>>, vector<16xf32>,
    %get3A_68 = arith.constant 16 : i32
    %get3A_69 = arith.index_cast %get3A_68 : i32 to index
    %get3A_70 = arith.constant 0 : index
    %get3A_71 = tpu.vector_load %arg13[%get3A_69, %get3A_70] {strides = array<i32>} : memref<18x16xf32, #tpu.memory_space<vmem>>, vector<16xf32>,
    %mul3A_72 = arith.constant 80 : i32
    %mul3A_73 = arith.muli %add3A, %mul3A_72 : i32
    %add3A_74 = arith.constant 0 : i32
    %add3A_75 = arith.addi %mul3A_73, %add3A_74 : i32
    %run_scoped3A = arith.constant 0 : i32
    "tpu.region"() ({
      %run_scoped3A_343 = tpu.sem_alloc : memref<!tpu.dma_semaphore, #tpu.memory_space<semaphore_mem>>
      %dma_start3A_344 = arith.constant 0 : i32
      %dma_start3A_345 = arith.constant 0 : i32
      %dma_start3A_346 = tpu.memref_slice %arg8[%run_scoped3A, %dma_start3A_344, %dma_start3A_345] : memref<2x4x128xi32, #tpu.memory_space<vmem>> -> memref<1x4x128xi32, #tpu.memory_space<vmem>>
      %dma_start3A_347 = tpu.memref_squeeze %dma_start3A_346 : memref<1x4x128xi32, #tpu.memory_space<vmem>> -> memref<4x128xi32, #tpu.memory_space<vmem>>
      %dma_start3A_348 = arith.constant 0 : i32
      %dma_start3A_349 = tpu.memref_slice %arg2[%add3A_75, %dma_start3A_348] : memref<2560x128xi32, #tpu.memory_space<hbm>> -> memref<4x128xi32, #tpu.memory_space<hbm>>
      %dma_start3A_350 = arith.constant 0 : i32
      %dma_start3A_351 = arith.constant 0 : i32
      %dma_start3A_352 = tpu.memref_slice %arg8[%run_scoped3A, %dma_start3A_350, %dma_start3A_351] : memref<2x4x128xi32, #tpu.memory_space<vmem>> -> memref<1x4x128xi32, #tpu.memory_space<vmem>>
      %dma_start3A_353 = tpu.memref_squeeze %dma_start3A_352 : memref<1x4x128xi32, #tpu.memory_space<vmem>> -> memref<4x128xi32, #tpu.memory_space<vmem>>
      %dma_start3A_354 = arith.constant 0 : i32
      %dma_start3A_355 = tpu.memref_slice %arg2[%add3A_75, %dma_start3A_354] : memref<2560x128xi32, #tpu.memory_space<hbm>> -> memref<4x128xi32, #tpu.memory_space<hbm>>
      tpu.enqueue_dma source(%dma_start3A_355 : memref<4x128xi32, #tpu.memory_space<hbm>>) target(%dma_start3A_353 : memref<4x128xi32, #tpu.memory_space<vmem>>) target_semaphore(%run_scoped3A_343 : memref<!tpu.dma_semaphore, #tpu.memory_space<semaphore_mem>>)
      %dma_wait3A = arith.constant 0 : i32
      %dma_wait3A_356 = arith.constant 0 : i32
      %dma_wait3A_357 = tpu.memref_slice %arg8[%run_scoped3A, %dma_wait3A, %dma_wait3A_356] : memref<2x4x128xi32, #tpu.memory_space<vmem>> -> memref<1x4x128xi32, #tpu.memory_space<vmem>>
      %dma_wait3A_358 = tpu.memref_squeeze %dma_wait3A_357 : memref<1x4x128xi32, #tpu.memory_space<vmem>> -> memref<4x128xi32, #tpu.memory_space<vmem>>
      %dma_wait3A_359 = arith.constant 0 : i32
      %dma_wait3A_360 = tpu.memref_slice %arg2[%add3A_75, %dma_wait3A_359] : memref<2560x128xi32, #tpu.memory_space<hbm>> -> memref<4x128xi32, #tpu.memory_space<hbm>>
      %dma_wait3A_361 = arith.constant 0 : i32
      %dma_wait3A_362 = arith.constant 0 : i32
      %dma_wait3A_363 = tpu.memref_slice %arg8[%run_scoped3A, %dma_wait3A_361, %dma_wait3A_362] : memref<2x4x128xi32, #tpu.memory_space<vmem>> -> memref<1x4x128xi32, #tpu.memory_space<vmem>>
      %dma_wait3A_364 = tpu.memref_squeeze %dma_wait3A_363 : memref<1x4x128xi32, #tpu.memory_space<vmem>> -> memref<4x128xi32, #tpu.memory_space<vmem>>
      %dma_wait3A_365 = arith.constant 0 : i32
      %dma_wait3A_366 = tpu.memref_slice %arg2[%add3A_75, %dma_wait3A_365] : memref<2560x128xi32, #tpu.memory_space<hbm>> -> memref<4x128xi32, #tpu.memory_space<hbm>>
      tpu.wait_dma2 semaphore(%run_scoped3A_343 : memref<!tpu.dma_semaphore, #tpu.memory_space<semaphore_mem>>) src(%dma_wait3A_366 : memref<4x128xi32, #tpu.memory_space<hbm>>) dst(%dma_wait3A_364 : memref<4x128xi32, #tpu.memory_space<vmem>>)
      tpu.yield
    }) : () -> ()
    %run_scoped3A_76 = arith.constant 0 : i32
    "tpu.region"() ({
      %run_scoped3A_343 = tpu.sem_alloc : memref<!tpu.dma_semaphore, #tpu.memory_space<semaphore_mem>>
      %dma_start3A_344 = arith.constant 0 : i32
      %dma_start3A_345 = arith.constant 0 : i32
      %dma_start3A_346 = tpu.memref_slice %arg9[%run_scoped3A_76, %dma_start3A_344, %dma_start3A_345] : memref<2x4x128xi32, #tpu.memory_space<vmem>> -> memref<1x4x128xi32, #tpu.memory_space<vmem>>
      %dma_start3A_347 = tpu.memref_squeeze %dma_start3A_346 : memref<1x4x128xi32, #tpu.memory_space<vmem>> -> memref<4x128xi32, #tpu.memory_space<vmem>>
      %dma_start3A_348 = arith.constant 0 : i32
      %dma_start3A_349 = tpu.memref_slice %arg3[%add3A_75, %dma_start3A_348] : memref<2560x128xi32, #tpu.memory_space<hbm>> -> memref<4x128xi32, #tpu.memory_space<hbm>>
      %dma_start3A_350 = arith.constant 0 : i32
      %dma_start3A_351 = arith.constant 0 : i32
      %dma_start3A_352 = tpu.memref_slice %arg9[%run_scoped3A_76, %dma_start3A_350, %dma_start3A_351] : memref<2x4x128xi32, #tpu.memory_space<vmem>> -> memref<1x4x128xi32, #tpu.memory_space<vmem>>
      %dma_start3A_353 = tpu.memref_squeeze %dma_start3A_352 : memref<1x4x128xi32, #tpu.memory_space<vmem>> -> memref<4x128xi32, #tpu.memory_space<vmem>>
      %dma_start3A_354 = arith.constant 0 : i32
      %dma_start3A_355 = tpu.memref_slice %arg3[%add3A_75, %dma_start3A_354] : memref<2560x128xi32, #tpu.memory_space<hbm>> -> memref<4x128xi32, #tpu.memory_space<hbm>>
      tpu.enqueue_dma source(%dma_start3A_355 : memref<4x128xi32, #tpu.memory_space<hbm>>) target(%dma_start3A_353 : memref<4x128xi32, #tpu.memory_space<vmem>>) target_semaphore(%run_scoped3A_343 : memref<!tpu.dma_semaphore, #tpu.memory_space<semaphore_mem>>)
      %dma_wait3A = arith.constant 0 : i32
      %dma_wait3A_356 = arith.constant 0 : i32
      %dma_wait3A_357 = tpu.memref_slice %arg9[%run_scoped3A_76, %dma_wait3A, %dma_wait3A_356] : memref<2x4x128xi32, #tpu.memory_space<vmem>> -> memref<1x4x128xi32, #tpu.memory_space<vmem>>
      %dma_wait3A_358 = tpu.memref_squeeze %dma_wait3A_357 : memref<1x4x128xi32, #tpu.memory_space<vmem>> -> memref<4x128xi32, #tpu.memory_space<vmem>>
      %dma_wait3A_359 = arith.constant 0 : i32
      %dma_wait3A_360 = tpu.memref_slice %arg3[%add3A_75, %dma_wait3A_359] : memref<2560x128xi32, #tpu.memory_space<hbm>> -> memref<4x128xi32, #tpu.memory_space<hbm>>
      %dma_wait3A_361 = arith.constant 0 : i32
      %dma_wait3A_362 = arith.constant 0 : i32
      %dma_wait3A_363 = tpu.memref_slice %arg9[%run_scoped3A_76, %dma_wait3A_361, %dma_wait3A_362] : memref<2x4x128xi32, #tpu.memory_space<vmem>> -> memref<1x4x128xi32, #tpu.memory_space<vmem>>
      %dma_wait3A_364 = tpu.memref_squeeze %dma_wait3A_363 : memref<1x4x128xi32, #tpu.memory_space<vmem>> -> memref<4x128xi32, #tpu.memory_space<vmem>>
      %dma_wait3A_365 = arith.constant 0 : i32
      %dma_wait3A_366 = tpu.memref_slice %arg3[%add3A_75, %dma_wait3A_365] : memref<2560x128xi32, #tpu.memory_space<hbm>> -> memref<4x128xi32, #tpu.memory_space<hbm>>
      tpu.wait_dma2 semaphore(%run_scoped3A_343 : memref<!tpu.dma_semaphore, #tpu.memory_space<semaphore_mem>>) src(%dma_wait3A_366 : memref<4x128xi32, #tpu.memory_space<hbm>>) dst(%dma_wait3A_364 : memref<4x128xi32, #tpu.memory_space<vmem>>)
      tpu.yield
    }) : () -> ()
    %dma_start3A = arith.constant 0 : i32
    %dma_start3A_77 = arith.constant 0 : i32
    %dma_start3A_78 = arith.constant 0 : i32
    %dma_start3A_79 = arith.constant 0 : i32
    %dma_start3A_80 = arith.constant 0 : i32
    %dma_start3A_81 = arith.constant 0 : i32
    %dma_start3A_82 = tpu.memref_slice %arg10[%dma_start3A_78, %dma_start3A_80, %dma_start3A_81] : memref<2x512x16xf32, #tpu.memory_space<vmem>> -> memref<1x128x16xf32, #tpu.memory_space<vmem>>
    %dma_start3A_83 = tpu.memref_squeeze %dma_start3A_82 : memref<1x128x16xf32, #tpu.memory_space<vmem>> -> memref<128x16xf32, #tpu.memory_space<vmem>>
    %dma_start3A_84 = arith.constant 0 : i32
    %dma_start3A_85 = tpu.memref_slice %arg8[%dma_start3A, %dma_start3A_77, %dma_start3A_84] : memref<2x4x128xi32, #tpu.memory_space<vmem>> -> memref<1x1x128xi32, #tpu.memory_space<vmem>>
    %dma_start3A_86 = tpu.memref_squeeze %dma_start3A_85 : memref<1x1x128xi32, #tpu.memory_space<vmem>> -> memref<128xi32, #tpu.memory_space<vmem>>
    %dma_start3A_87 = arith.constant 0 : i32
    %dma_start3A_88 = arith.constant 0 : i32
    %dma_start3A_89 = tpu.memref_slice %arg14[%dma_start3A_87, %dma_start3A_88] : memref<10000x16xf32, #tpu.memory_space<vmem_shared>> -> memref<10000x16xf32, #tpu.memory_space<vmem_shared>>
    %dma_start3A_90 = tpu.memref_slice %arg16[%dma_start3A_79] : memref<2x!tpu.dma_semaphore, #tpu.memory_space<semaphore_mem>> -> memref<1x!tpu.dma_semaphore, #tpu.memory_space<semaphore_mem>>
    %dma_start3A_91 = tpu.memref_squeeze %dma_start3A_90 : memref<1x!tpu.dma_semaphore, #tpu.memory_space<semaphore_mem>> -> memref<!tpu.dma_semaphore, #tpu.memory_space<semaphore_mem>>
    tpu.enqueue_indirect_dma source(%dma_start3A_89 : memref<10000x16xf32, #tpu.memory_space<vmem_shared>>) target(%dma_start3A_83 : memref<128x16xf32, #tpu.memory_space<vmem>>) offsets(%dma_start3A_86 : memref<128xi32, #tpu.memory_space<vmem>>) semaphore(%dma_start3A_91 : memref<!tpu.dma_semaphore, #tpu.memory_space<semaphore_mem>>)
    %dma_start3A_92 = arith.constant 0 : i32
    %dma_start3A_93 = arith.constant 0 : i32
    %dma_start3A_94 = arith.constant 0 : i32
    %dma_start3A_95 = arith.constant 0 : i32
    %dma_start3A_96 = arith.constant 0 : i32
    %dma_start3A_97 = arith.constant 0 : i32
    %dma_start3A_98 = tpu.memref_slice %arg11[%dma_start3A_94, %dma_start3A_96, %dma_start3A_97] : memref<2x512x16xf32, #tpu.memory_space<vmem>> -> memref<1x128x16xf32, #tpu.memory_space<vmem>>
    %dma_start3A_99 = tpu.memref_squeeze %dma_start3A_98 : memref<1x128x16xf32, #tpu.memory_space<vmem>> -> memref<128x16xf32, #tpu.memory_space<vmem>>
    %dma_start3A_100 = arith.constant 0 : i32
    %dma_start3A_101 = tpu.memref_slice %arg9[%dma_start3A_92, %dma_start3A_93, %dma_start3A_100] : memref<2x4x128xi32, #tpu.memory_space<vmem>> -> memref<1x1x128xi32, #tpu.memory_space<vmem>>
    %dma_start3A_102 = tpu.memref_squeeze %dma_start3A_101 : memref<1x1x128xi32, #tpu.memory_space<vmem>> -> memref<128xi32, #tpu.memory_space<vmem>>
    %dma_start3A_103 = arith.constant 0 : i32
    %dma_start3A_104 = arith.constant 0 : i32
    %dma_start3A_105 = tpu.memref_slice %arg15[%dma_start3A_103, %dma_start3A_104] : memref<10000x16xf32, #tpu.memory_space<vmem_shared>> -> memref<10000x16xf32, #tpu.memory_space<vmem_shared>>
    %dma_start3A_106 = tpu.memref_slice %arg17[%dma_start3A_95] : memref<2x!tpu.dma_semaphore, #tpu.memory_space<semaphore_mem>> -> memref<1x!tpu.dma_semaphore, #tpu.memory_space<semaphore_mem>>
    %dma_start3A_107 = tpu.memref_squeeze %dma_start3A_106 : memref<1x!tpu.dma_semaphore, #tpu.memory_space<semaphore_mem>> -> memref<!tpu.dma_semaphore, #tpu.memory_space<semaphore_mem>>
    tpu.enqueue_indirect_dma source(%dma_start3A_105 : memref<10000x16xf32, #tpu.memory_space<vmem_shared>>) target(%dma_start3A_99 : memref<128x16xf32, #tpu.memory_space<vmem>>) offsets(%dma_start3A_102 : memref<128xi32, #tpu.memory_space<vmem>>) semaphore(%dma_start3A_107 : memref<!tpu.dma_semaphore, #tpu.memory_space<semaphore_mem>>)
    %dma_start3A_108 = arith.constant 0 : i32
    %dma_start3A_109 = arith.constant 1 : i32
    %dma_start3A_110 = arith.constant 0 : i32
    %dma_start3A_111 = arith.constant 0 : i32
    %dma_start3A_112 = arith.constant 128 : i32
    %dma_start3A_113 = arith.constant 0 : i32
    %dma_start3A_114 = tpu.memref_slice %arg10[%dma_start3A_110, %dma_start3A_112, %dma_start3A_113] : memref<2x512x16xf32, #tpu.memory_space<vmem>> -> memref<1x128x16xf32, #tpu.memory_space<vmem>>
    %dma_start3A_115 = tpu.memref_squeeze %dma_start3A_114 : memref<1x128x16xf32, #tpu.memory_space<vmem>> -> memref<128x16xf32, #tpu.memory_space<vmem>>
    %dma_start3A_116 = arith.constant 0 : i32
    %dma_start3A_117 = tpu.memref_slice %arg8[%dma_start3A_108, %dma_start3A_109, %dma_start3A_116] : memref<2x4x128xi32, #tpu.memory_space<vmem>> -> memref<1x1x128xi32, #tpu.memory_space<vmem>>
    %dma_start3A_118 = tpu.memref_squeeze %dma_start3A_117 : memref<1x1x128xi32, #tpu.memory_space<vmem>> -> memref<128xi32, #tpu.memory_space<vmem>>
    %dma_start3A_119 = arith.constant 0 : i32
    %dma_start3A_120 = arith.constant 0 : i32
    %dma_start3A_121 = tpu.memref_slice %arg14[%dma_start3A_119, %dma_start3A_120] : memref<10000x16xf32, #tpu.memory_space<vmem_shared>> -> memref<10000x16xf32, #tpu.memory_space<vmem_shared>>
    %dma_start3A_122 = tpu.memref_slice %arg16[%dma_start3A_111] : memref<2x!tpu.dma_semaphore, #tpu.memory_space<semaphore_mem>> -> memref<1x!tpu.dma_semaphore, #tpu.memory_space<semaphore_mem>>
    %dma_start3A_123 = tpu.memref_squeeze %dma_start3A_122 : memref<1x!tpu.dma_semaphore, #tpu.memory_space<semaphore_mem>> -> memref<!tpu.dma_semaphore, #tpu.memory_space<semaphore_mem>>
    tpu.enqueue_indirect_dma source(%dma_start3A_121 : memref<10000x16xf32, #tpu.memory_space<vmem_shared>>) target(%dma_start3A_115 : memref<128x16xf32, #tpu.memory_space<vmem>>) offsets(%dma_start3A_118 : memref<128xi32, #tpu.memory_space<vmem>>) semaphore(%dma_start3A_123 : memref<!tpu.dma_semaphore, #tpu.memory_space<semaphore_mem>>)
    %dma_start3A_124 = arith.constant 0 : i32
    %dma_start3A_125 = arith.constant 1 : i32
    %dma_start3A_126 = arith.constant 0 : i32
    %dma_start3A_127 = arith.constant 0 : i32
    %dma_start3A_128 = arith.constant 128 : i32
    %dma_start3A_129 = arith.constant 0 : i32
    %dma_start3A_130 = tpu.memref_slice %arg11[%dma_start3A_126, %dma_start3A_128, %dma_start3A_129] : memref<2x512x16xf32, #tpu.memory_space<vmem>> -> memref<1x128x16xf32, #tpu.memory_space<vmem>>
    %dma_start3A_131 = tpu.memref_squeeze %dma_start3A_130 : memref<1x128x16xf32, #tpu.memory_space<vmem>> -> memref<128x16xf32, #tpu.memory_space<vmem>>
    %dma_start3A_132 = arith.constant 0 : i32
    %dma_start3A_133 = tpu.memref_slice %arg9[%dma_start3A_124, %dma_start3A_125, %dma_start3A_132] : memref<2x4x128xi32, #tpu.memory_space<vmem>> -> memref<1x1x128xi32, #tpu.memory_space<vmem>>
    %dma_start3A_134 = tpu.memref_squeeze %dma_start3A_133 : memref<1x1x128xi32, #tpu.memory_space<vmem>> -> memref<128xi32, #tpu.memory_space<vmem>>
    %dma_start3A_135 = arith.constant 0 : i32
    %dma_start3A_136 = arith.constant 0 : i32
    %dma_start3A_137 = tpu.memref_slice %arg15[%dma_start3A_135, %dma_start3A_136] : memref<10000x16xf32, #tpu.memory_space<vmem_shared>> -> memref<10000x16xf32, #tpu.memory_space<vmem_shared>>
    %dma_start3A_138 = tpu.memref_slice %arg17[%dma_start3A_127] : memref<2x!tpu.dma_semaphore, #tpu.memory_space<semaphore_mem>> -> memref<1x!tpu.dma_semaphore, #tpu.memory_space<semaphore_mem>>
    %dma_start3A_139 = tpu.memref_squeeze %dma_start3A_138 : memref<1x!tpu.dma_semaphore, #tpu.memory_space<semaphore_mem>> -> memref<!tpu.dma_semaphore, #tpu.memory_space<semaphore_mem>>
    tpu.enqueue_indirect_dma source(%dma_start3A_137 : memref<10000x16xf32, #tpu.memory_space<vmem_shared>>) target(%dma_start3A_131 : memref<128x16xf32, #tpu.memory_space<vmem>>) offsets(%dma_start3A_134 : memref<128xi32, #tpu.memory_space<vmem>>) semaphore(%dma_start3A_139 : memref<!tpu.dma_semaphore, #tpu.memory_space<semaphore_mem>>)
    %dma_start3A_140 = arith.constant 0 : i32
    %dma_start3A_141 = arith.constant 2 : i32
    %dma_start3A_142 = arith.constant 0 : i32
    %dma_start3A_143 = arith.constant 0 : i32
    %dma_start3A_144 = arith.constant 256 : i32
    %dma_start3A_145 = arith.constant 0 : i32
    %dma_start3A_146 = tpu.memref_slice %arg10[%dma_start3A_142, %dma_start3A_144, %dma_start3A_145] : memref<2x512x16xf32, #tpu.memory_space<vmem>> -> memref<1x128x16xf32, #tpu.memory_space<vmem>>
    %dma_start3A_147 = tpu.memref_squeeze %dma_start3A_146 : memref<1x128x16xf32, #tpu.memory_space<vmem>> -> memref<128x16xf32, #tpu.memory_space<vmem>>
    %dma_start3A_148 = arith.constant 0 : i32
    %dma_start3A_149 = tpu.memref_slice %arg8[%dma_start3A_140, %dma_start3A_141, %dma_start3A_148] : memref<2x4x128xi32, #tpu.memory_space<vmem>> -> memref<1x1x128xi32, #tpu.memory_space<vmem>>
    %dma_start3A_150 = tpu.memref_squeeze %dma_start3A_149 : memref<1x1x128xi32, #tpu.memory_space<vmem>> -> memref<128xi32, #tpu.memory_space<vmem>>
    %dma_start3A_151 = arith.constant 0 : i32
    %dma_start3A_152 = arith.constant 0 : i32
    %dma_start3A_153 = tpu.memref_slice %arg14[%dma_start3A_151, %dma_start3A_152] : memref<10000x16xf32, #tpu.memory_space<vmem_shared>> -> memref<10000x16xf32, #tpu.memory_space<vmem_shared>>
    %dma_start3A_154 = tpu.memref_slice %arg16[%dma_start3A_143] : memref<2x!tpu.dma_semaphore, #tpu.memory_space<semaphore_mem>> -> memref<1x!tpu.dma_semaphore, #tpu.memory_space<semaphore_mem>>
    %dma_start3A_155 = tpu.memref_squeeze %dma_start3A_154 : memref<1x!tpu.dma_semaphore, #tpu.memory_space<semaphore_mem>> -> memref<!tpu.dma_semaphore, #tpu.memory_space<semaphore_mem>>
    tpu.enqueue_indirect_dma source(%dma_start3A_153 : memref<10000x16xf32, #tpu.memory_space<vmem_shared>>) target(%dma_start3A_147 : memref<128x16xf32, #tpu.memory_space<vmem>>) offsets(%dma_start3A_150 : memref<128xi32, #tpu.memory_space<vmem>>) semaphore(%dma_start3A_155 : memref<!tpu.dma_semaphore, #tpu.memory_space<semaphore_mem>>)
    %dma_start3A_156 = arith.constant 0 : i32
    %dma_start3A_157 = arith.constant 2 : i32
    %dma_start3A_158 = arith.constant 0 : i32
    %dma_start3A_159 = arith.constant 0 : i32
    %dma_start3A_160 = arith.constant 256 : i32
    %dma_start3A_161 = arith.constant 0 : i32
    %dma_start3A_162 = tpu.memref_slice %arg11[%dma_start3A_158, %dma_start3A_160, %dma_start3A_161] : memref<2x512x16xf32, #tpu.memory_space<vmem>> -> memref<1x128x16xf32, #tpu.memory_space<vmem>>
    %dma_start3A_163 = tpu.memref_squeeze %dma_start3A_162 : memref<1x128x16xf32, #tpu.memory_space<vmem>> -> memref<128x16xf32, #tpu.memory_space<vmem>>
    %dma_start3A_164 = arith.constant 0 : i32
    %dma_start3A_165 = tpu.memref_slice %arg9[%dma_start3A_156, %dma_start3A_157, %dma_start3A_164] : memref<2x4x128xi32, #tpu.memory_space<vmem>> -> memref<1x1x128xi32, #tpu.memory_space<vmem>>
    %dma_start3A_166 = tpu.memref_squeeze %dma_start3A_165 : memref<1x1x128xi32, #tpu.memory_space<vmem>> -> memref<128xi32, #tpu.memory_space<vmem>>
    %dma_start3A_167 = arith.constant 0 : i32
    %dma_start3A_168 = arith.constant 0 : i32
    %dma_start3A_169 = tpu.memref_slice %arg15[%dma_start3A_167, %dma_start3A_168] : memref<10000x16xf32, #tpu.memory_space<vmem_shared>> -> memref<10000x16xf32, #tpu.memory_space<vmem_shared>>
    %dma_start3A_170 = tpu.memref_slice %arg17[%dma_start3A_159] : memref<2x!tpu.dma_semaphore, #tpu.memory_space<semaphore_mem>> -> memref<1x!tpu.dma_semaphore, #tpu.memory_space<semaphore_mem>>
    %dma_start3A_171 = tpu.memref_squeeze %dma_start3A_170 : memref<1x!tpu.dma_semaphore, #tpu.memory_space<semaphore_mem>> -> memref<!tpu.dma_semaphore, #tpu.memory_space<semaphore_mem>>
    tpu.enqueue_indirect_dma source(%dma_start3A_169 : memref<10000x16xf32, #tpu.memory_space<vmem_shared>>) target(%dma_start3A_163 : memref<128x16xf32, #tpu.memory_space<vmem>>) offsets(%dma_start3A_166 : memref<128xi32, #tpu.memory_space<vmem>>) semaphore(%dma_start3A_171 : memref<!tpu.dma_semaphore, #tpu.memory_space<semaphore_mem>>)
    %dma_start3A_172 = arith.constant 0 : i32
    %dma_start3A_173 = arith.constant 3 : i32
    %dma_start3A_174 = arith.constant 0 : i32
    %dma_start3A_175 = arith.constant 0 : i32
    %dma_start3A_176 = arith.constant 384 : i32
    %dma_start3A_177 = arith.constant 0 : i32
    %dma_start3A_178 = tpu.memref_slice %arg10[%dma_start3A_174, %dma_start3A_176, %dma_start3A_177] : memref<2x512x16xf32, #tpu.memory_space<vmem>> -> memref<1x128x16xf32, #tpu.memory_space<vmem>>
    %dma_start3A_179 = tpu.memref_squeeze %dma_start3A_178 : memref<1x128x16xf32, #tpu.memory_space<vmem>> -> memref<128x16xf32, #tpu.memory_space<vmem>>
    %dma_start3A_180 = arith.constant 0 : i32
    %dma_start3A_181 = tpu.memref_slice %arg8[%dma_start3A_172, %dma_start3A_173, %dma_start3A_180] : memref<2x4x128xi32, #tpu.memory_space<vmem>> -> memref<1x1x128xi32, #tpu.memory_space<vmem>>
    %dma_start3A_182 = tpu.memref_squeeze %dma_start3A_181 : memref<1x1x128xi32, #tpu.memory_space<vmem>> -> memref<128xi32, #tpu.memory_space<vmem>>
    %dma_start3A_183 = arith.constant 0 : i32
    %dma_start3A_184 = arith.constant 0 : i32
    %dma_start3A_185 = tpu.memref_slice %arg14[%dma_start3A_183, %dma_start3A_184] : memref<10000x16xf32, #tpu.memory_space<vmem_shared>> -> memref<10000x16xf32, #tpu.memory_space<vmem_shared>>
    %dma_start3A_186 = tpu.memref_slice %arg16[%dma_start3A_175] : memref<2x!tpu.dma_semaphore, #tpu.memory_space<semaphore_mem>> -> memref<1x!tpu.dma_semaphore, #tpu.memory_space<semaphore_mem>>
    %dma_start3A_187 = tpu.memref_squeeze %dma_start3A_186 : memref<1x!tpu.dma_semaphore, #tpu.memory_space<semaphore_mem>> -> memref<!tpu.dma_semaphore, #tpu.memory_space<semaphore_mem>>
    tpu.enqueue_indirect_dma source(%dma_start3A_185 : memref<10000x16xf32, #tpu.memory_space<vmem_shared>>) target(%dma_start3A_179 : memref<128x16xf32, #tpu.memory_space<vmem>>) offsets(%dma_start3A_182 : memref<128xi32, #tpu.memory_space<vmem>>) semaphore(%dma_start3A_187 : memref<!tpu.dma_semaphore, #tpu.memory_space<semaphore_mem>>)
    %dma_start3A_188 = arith.constant 0 : i32
    %dma_start3A_189 = arith.constant 3 : i32
    %dma_start3A_190 = arith.constant 0 : i32
    %dma_start3A_191 = arith.constant 0 : i32
    %dma_start3A_192 = arith.constant 384 : i32
    %dma_start3A_193 = arith.constant 0 : i32
    %dma_start3A_194 = tpu.memref_slice %arg11[%dma_start3A_190, %dma_start3A_192, %dma_start3A_193] : memref<2x512x16xf32, #tpu.memory_space<vmem>> -> memref<1x128x16xf32, #tpu.memory_space<vmem>>
    %dma_start3A_195 = tpu.memref_squeeze %dma_start3A_194 : memref<1x128x16xf32, #tpu.memory_space<vmem>> -> memref<128x16xf32, #tpu.memory_space<vmem>>
    %dma_start3A_196 = arith.constant 0 : i32
    %dma_start3A_197 = tpu.memref_slice %arg9[%dma_start3A_188, %dma_start3A_189, %dma_start3A_196] : memref<2x4x128xi32, #tpu.memory_space<vmem>> -> memref<1x1x128xi32, #tpu.memory_space<vmem>>
    %dma_start3A_198 = tpu.memref_squeeze %dma_start3A_197 : memref<1x1x128xi32, #tpu.memory_space<vmem>> -> memref<128xi32, #tpu.memory_space<vmem>>
    %dma_start3A_199 = arith.constant 0 : i32
    %dma_start3A_200 = arith.constant 0 : i32
    %dma_start3A_201 = tpu.memref_slice %arg15[%dma_start3A_199, %dma_start3A_200] : memref<10000x16xf32, #tpu.memory_space<vmem_shared>> -> memref<10000x16xf32, #tpu.memory_space<vmem_shared>>
    %dma_start3A_202 = tpu.memref_slice %arg17[%dma_start3A_191] : memref<2x!tpu.dma_semaphore, #tpu.memory_space<semaphore_mem>> -> memref<1x!tpu.dma_semaphore, #tpu.memory_space<semaphore_mem>>
    %dma_start3A_203 = tpu.memref_squeeze %dma_start3A_202 : memref<1x!tpu.dma_semaphore, #tpu.memory_space<semaphore_mem>> -> memref<!tpu.dma_semaphore, #tpu.memory_space<semaphore_mem>>
    tpu.enqueue_indirect_dma source(%dma_start3A_201 : memref<10000x16xf32, #tpu.memory_space<vmem_shared>>) target(%dma_start3A_195 : memref<128x16xf32, #tpu.memory_space<vmem>>) offsets(%dma_start3A_198 : memref<128xi32, #tpu.memory_space<vmem>>) semaphore(%dma_start3A_203 : memref<!tpu.dma_semaphore, #tpu.memory_space<semaphore_mem>>)
    %mul3A_204 = arith.constant 80 : i32
    %mul3A_205 = arith.muli %add3A, %mul3A_204 : i32
    %add3A_206 = arith.constant 4 : i32
    %add3A_207 = arith.addi %mul3A_205, %add3A_206 : i32
    %run_scoped3A_208 = arith.constant 1 : i32
    "tpu.region"() ({
      %run_scoped3A_343 = tpu.sem_alloc : memref<!tpu.dma_semaphore, #tpu.memory_space<semaphore_mem>>
      %dma_start3A_344 = arith.constant 0 : i32
      %dma_start3A_345 = arith.constant 0 : i32
      %dma_start3A_346 = tpu.memref_slice %arg8[%run_scoped3A_208, %dma_start3A_344, %dma_start3A_345] : memref<2x4x128xi32, #tpu.memory_space<vmem>> -> memref<1x4x128xi32, #tpu.memory_space<vmem>>
      %dma_start3A_347 = tpu.memref_squeeze %dma_start3A_346 : memref<1x4x128xi32, #tpu.memory_space<vmem>> -> memref<4x128xi32, #tpu.memory_space<vmem>>
      %dma_start3A_348 = arith.constant 0 : i32
      %dma_start3A_349 = tpu.memref_slice %arg2[%add3A_207, %dma_start3A_348] : memref<2560x128xi32, #tpu.memory_space<hbm>> -> memref<4x128xi32, #tpu.memory_space<hbm>>
      %dma_start3A_350 = arith.constant 0 : i32
      %dma_start3A_351 = arith.constant 0 : i32
      %dma_start3A_352 = tpu.memref_slice %arg8[%run_scoped3A_208, %dma_start3A_350, %dma_start3A_351] : memref<2x4x128xi32, #tpu.memory_space<vmem>> -> memref<1x4x128xi32, #tpu.memory_space<vmem>>
      %dma_start3A_353 = tpu.memref_squeeze %dma_start3A_352 : memref<1x4x128xi32, #tpu.memory_space<vmem>> -> memref<4x128xi32, #tpu.memory_space<vmem>>
      %dma_start3A_354 = arith.constant 0 : i32
      %dma_start3A_355 = tpu.memref_slice %arg2[%add3A_207, %dma_start3A_354] : memref<2560x128xi32, #tpu.memory_space<hbm>> -> memref<4x128xi32, #tpu.memory_space<hbm>>
      tpu.enqueue_dma source(%dma_start3A_355 : memref<4x128xi32, #tpu.memory_space<hbm>>) target(%dma_start3A_353 : memref<4x128xi32, #tpu.memory_space<vmem>>) target_semaphore(%run_scoped3A_343 : memref<!tpu.dma_semaphore, #tpu.memory_space<semaphore_mem>>)
      %dma_wait3A = arith.constant 0 : i32
      %dma_wait3A_356 = arith.constant 0 : i32
      %dma_wait3A_357 = tpu.memref_slice %arg8[%run_scoped3A_208, %dma_wait3A, %dma_wait3A_356] : memref<2x4x128xi32, #tpu.memory_space<vmem>> -> memref<1x4x128xi32, #tpu.memory_space<vmem>>
      %dma_wait3A_358 = tpu.memref_squeeze %dma_wait3A_357 : memref<1x4x128xi32, #tpu.memory_space<vmem>> -> memref<4x128xi32, #tpu.memory_space<vmem>>
      %dma_wait3A_359 = arith.constant 0 : i32
      %dma_wait3A_360 = tpu.memref_slice %arg2[%add3A_207, %dma_wait3A_359] : memref<2560x128xi32, #tpu.memory_space<hbm>> -> memref<4x128xi32, #tpu.memory_space<hbm>>
      %dma_wait3A_361 = arith.constant 0 : i32
      %dma_wait3A_362 = arith.constant 0 : i32
      %dma_wait3A_363 = tpu.memref_slice %arg8[%run_scoped3A_208, %dma_wait3A_361, %dma_wait3A_362] : memref<2x4x128xi32, #tpu.memory_space<vmem>> -> memref<1x4x128xi32, #tpu.memory_space<vmem>>
      %dma_wait3A_364 = tpu.memref_squeeze %dma_wait3A_363 : memref<1x4x128xi32, #tpu.memory_space<vmem>> -> memref<4x128xi32, #tpu.memory_space<vmem>>
      %dma_wait3A_365 = arith.constant 0 : i32
      %dma_wait3A_366 = tpu.memref_slice %arg2[%add3A_207, %dma_wait3A_365] : memref<2560x128xi32, #tpu.memory_space<hbm>> -> memref<4x128xi32, #tpu.memory_space<hbm>>
      tpu.wait_dma2 semaphore(%run_scoped3A_343 : memref<!tpu.dma_semaphore, #tpu.memory_space<semaphore_mem>>) src(%dma_wait3A_366 : memref<4x128xi32, #tpu.memory_space<hbm>>) dst(%dma_wait3A_364 : memref<4x128xi32, #tpu.memory_space<vmem>>)
      tpu.yield
    }) : () -> ()
    %run_scoped3A_209 = arith.constant 1 : i32
    "tpu.region"() ({
      %run_scoped3A_343 = tpu.sem_alloc : memref<!tpu.dma_semaphore, #tpu.memory_space<semaphore_mem>>
      %dma_start3A_344 = arith.constant 0 : i32
      %dma_start3A_345 = arith.constant 0 : i32
      %dma_start3A_346 = tpu.memref_slice %arg9[%run_scoped3A_209, %dma_start3A_344, %dma_start3A_345] : memref<2x4x128xi32, #tpu.memory_space<vmem>> -> memref<1x4x128xi32, #tpu.memory_space<vmem>>
      %dma_start3A_347 = tpu.memref_squeeze %dma_start3A_346 : memref<1x4x128xi32, #tpu.memory_space<vmem>> -> memref<4x128xi32, #tpu.memory_space<vmem>>
      %dma_start3A_348 = arith.constant 0 : i32
      %dma_start3A_349 = tpu.memref_slice %arg3[%add3A_207, %dma_start3A_348] : memref<2560x128xi32, #tpu.memory_space<hbm>> -> memref<4x128xi32, #tpu.memory_space<hbm>>
      %dma_start3A_350 = arith.constant 0 : i32
      %dma_start3A_351 = arith.constant 0 : i32
      %dma_start3A_352 = tpu.memref_slice %arg9[%run_scoped3A_209, %dma_start3A_350, %dma_start3A_351] : memref<2x4x128xi32, #tpu.memory_space<vmem>> -> memref<1x4x128xi32, #tpu.memory_space<vmem>>
      %dma_start3A_353 = tpu.memref_squeeze %dma_start3A_352 : memref<1x4x128xi32, #tpu.memory_space<vmem>> -> memref<4x128xi32, #tpu.memory_space<vmem>>
      %dma_start3A_354 = arith.constant 0 : i32
      %dma_start3A_355 = tpu.memref_slice %arg3[%add3A_207, %dma_start3A_354] : memref<2560x128xi32, #tpu.memory_space<hbm>> -> memref<4x128xi32, #tpu.memory_space<hbm>>
      tpu.enqueue_dma source(%dma_start3A_355 : memref<4x128xi32, #tpu.memory_space<hbm>>) target(%dma_start3A_353 : memref<4x128xi32, #tpu.memory_space<vmem>>) target_semaphore(%run_scoped3A_343 : memref<!tpu.dma_semaphore, #tpu.memory_space<semaphore_mem>>)
      %dma_wait3A = arith.constant 0 : i32
      %dma_wait3A_356 = arith.constant 0 : i32
      %dma_wait3A_357 = tpu.memref_slice %arg9[%run_scoped3A_209, %dma_wait3A, %dma_wait3A_356] : memref<2x4x128xi32, #tpu.memory_space<vmem>> -> memref<1x4x128xi32, #tpu.memory_space<vmem>>
      %dma_wait3A_358 = tpu.memref_squeeze %dma_wait3A_357 : memref<1x4x128xi32, #tpu.memory_space<vmem>> -> memref<4x128xi32, #tpu.memory_space<vmem>>
      %dma_wait3A_359 = arith.constant 0 : i32
      %dma_wait3A_360 = tpu.memref_slice %arg3[%add3A_207, %dma_wait3A_359] : memref<2560x128xi32, #tpu.memory_space<hbm>> -> memref<4x128xi32, #tpu.memory_space<hbm>>
      %dma_wait3A_361 = arith.constant 0 : i32
      %dma_wait3A_362 = arith.constant 0 : i32
      %dma_wait3A_363 = tpu.memref_slice %arg9[%run_scoped3A_209, %dma_wait3A_361, %dma_wait3A_362] : memref<2x4x128xi32, #tpu.memory_space<vmem>> -> memref<1x4x128xi32, #tpu.memory_space<vmem>>
      %dma_wait3A_364 = tpu.memref_squeeze %dma_wait3A_363 : memref<1x4x128xi32, #tpu.memory_space<vmem>> -> memref<4x128xi32, #tpu.memory_space<vmem>>
      %dma_wait3A_365 = arith.constant 0 : i32
      %dma_wait3A_366 = tpu.memref_slice %arg3[%add3A_207, %dma_wait3A_365] : memref<2560x128xi32, #tpu.memory_space<hbm>> -> memref<4x128xi32, #tpu.memory_space<hbm>>
      tpu.wait_dma2 semaphore(%run_scoped3A_343 : memref<!tpu.dma_semaphore, #tpu.memory_space<semaphore_mem>>) src(%dma_wait3A_366 : memref<4x128xi32, #tpu.memory_space<hbm>>) dst(%dma_wait3A_364 : memref<4x128xi32, #tpu.memory_space<vmem>>)
      tpu.yield
    }) : () -> ()
    %dma_start3A_210 = arith.constant 1 : i32
    %dma_start3A_211 = arith.constant 0 : i32
    %dma_start3A_212 = arith.constant 1 : i32
    %dma_start3A_213 = arith.constant 1 : i32
    %dma_start3A_214 = arith.constant 0 : i32
    %dma_start3A_215 = arith.constant 0 : i32
    %dma_start3A_216 = tpu.memref_slice %arg10[%dma_start3A_212, %dma_start3A_214, %dma_start3A_215] : memref<2x512x16xf32, #tpu.memory_space<vmem>> -> memref<1x128x16xf32, #tpu.memory_space<vmem>>
    %dma_start3A_217 = tpu.memref_squeeze %dma_start3A_216 : memref<1x128x16xf32, #tpu.memory_space<vmem>> -> memref<128x16xf32, #tpu.memory_space<vmem>>
    %dma_start3A_218 = arith.constant 0 : i32
    %dma_start3A_219 = tpu.memref_slice %arg8[%dma_start3A_210, %dma_start3A_211, %dma_start3A_218] : memref<2x4x128xi32, #tpu.memory_space<vmem>> -> memref<1x1x128xi32, #tpu.memory_space<vmem>>
    %dma_start3A_220 = tpu.memref_squeeze %dma_start3A_219 : memref<1x1x128xi32, #tpu.memory_space<vmem>> -> memref<128xi32, #tpu.memory_space<vmem>>
    %dma_start3A_221 = arith.constant 0 : i32
    %dma_start3A_222 = arith.constant 0 : i32
    %dma_start3A_223 = tpu.memref_slice %arg14[%dma_start3A_221, %dma_start3A_222] : memref<10000x16xf32, #tpu.memory_space<vmem_shared>> -> memref<10000x16xf32, #tpu.memory_space<vmem_shared>>
    %dma_start3A_224 = tpu.memref_slice %arg16[%dma_start3A_213] : memref<2x!tpu.dma_semaphore, #tpu.memory_space<semaphore_mem>> -> memref<1x!tpu.dma_semaphore, #tpu.memory_space<semaphore_mem>>
    %dma_start3A_225 = tpu.memref_squeeze %dma_start3A_224 : memref<1x!tpu.dma_semaphore, #tpu.memory_space<semaphore_mem>> -> memref<!tpu.dma_semaphore, #tpu.memory_space<semaphore_mem>>
    tpu.enqueue_indirect_dma source(%dma_start3A_223 : memref<10000x16xf32, #tpu.memory_space<vmem_shared>>) target(%dma_start3A_217 : memref<128x16xf32, #tpu.memory_space<vmem>>) offsets(%dma_start3A_220 : memref<128xi32, #tpu.memory_space<vmem>>) semaphore(%dma_start3A_225 : memref<!tpu.dma_semaphore, #tpu.memory_space<semaphore_mem>>)
    %dma_start3A_226 = arith.constant 1 : i32
    %dma_start3A_227 = arith.constant 0 : i32
    %dma_start3A_228 = arith.constant 1 : i32
    %dma_start3A_229 = arith.constant 1 : i32
    %dma_start3A_230 = arith.constant 0 : i32
    %dma_start3A_231 = arith.constant 0 : i32
    %dma_start3A_232 = tpu.memref_slice %arg11[%dma_start3A_228, %dma_start3A_230, %dma_start3A_231] : memref<2x512x16xf32, #tpu.memory_space<vmem>> -> memref<1x128x16xf32, #tpu.memory_space<vmem>>
    %dma_start3A_233 = tpu.memref_squeeze %dma_start3A_232 : memref<1x128x16xf32, #tpu.memory_space<vmem>> -> memref<128x16xf32, #tpu.memory_space<vmem>>
    %dma_start3A_234 = arith.constant 0 : i32
    %dma_start3A_235 = tpu.memref_slice %arg9[%dma_start3A_226, %dma_start3A_227, %dma_start3A_234] : memref<2x4x128xi32, #tpu.memory_space<vmem>> -> memref<1x1x128xi32, #tpu.memory_space<vmem>>
    %dma_start3A_236 = tpu.memref_squeeze %dma_start3A_235 : memref<1x1x128xi32, #tpu.memory_space<vmem>> -> memref<128xi32, #tpu.memory_space<vmem>>
    %dma_start3A_237 = arith.constant 0 : i32
    %dma_start3A_238 = arith.constant 0 : i32
    %dma_start3A_239 = tpu.memref_slice %arg15[%dma_start3A_237, %dma_start3A_238] : memref<10000x16xf32, #tpu.memory_space<vmem_shared>> -> memref<10000x16xf32, #tpu.memory_space<vmem_shared>>
    %dma_start3A_240 = tpu.memref_slice %arg17[%dma_start3A_229] : memref<2x!tpu.dma_semaphore, #tpu.memory_space<semaphore_mem>> -> memref<1x!tpu.dma_semaphore, #tpu.memory_space<semaphore_mem>>
    %dma_start3A_241 = tpu.memref_squeeze %dma_start3A_240 : memref<1x!tpu.dma_semaphore, #tpu.memory_space<semaphore_mem>> -> memref<!tpu.dma_semaphore, #tpu.memory_space<semaphore_mem>>
    tpu.enqueue_indirect_dma source(%dma_start3A_239 : memref<10000x16xf32, #tpu.memory_space<vmem_shared>>) target(%dma_start3A_233 : memref<128x16xf32, #tpu.memory_space<vmem>>) offsets(%dma_start3A_236 : memref<128xi32, #tpu.memory_space<vmem>>) semaphore(%dma_start3A_241 : memref<!tpu.dma_semaphore, #tpu.memory_space<semaphore_mem>>)
    %dma_start3A_242 = arith.constant 1 : i32
    %dma_start3A_243 = arith.constant 1 : i32
    %dma_start3A_244 = arith.constant 1 : i32
    %dma_start3A_245 = arith.constant 1 : i32
    %dma_start3A_246 = arith.constant 128 : i32
    %dma_start3A_247 = arith.constant 0 : i32
    %dma_start3A_248 = tpu.memref_slice %arg10[%dma_start3A_244, %dma_start3A_246, %dma_start3A_247] : memref<2x512x16xf32, #tpu.memory_space<vmem>> -> memref<1x128x16xf32, #tpu.memory_space<vmem>>
    %dma_start3A_249 = tpu.memref_squeeze %dma_start3A_248 : memref<1x128x16xf32, #tpu.memory_space<vmem>> -> memref<128x16xf32, #tpu.memory_space<vmem>>
    %dma_start3A_250 = arith.constant 0 : i32
    %dma_start3A_251 = tpu.memref_slice %arg8[%dma_start3A_242, %dma_start3A_243, %dma_start3A_250] : memref<2x4x128xi32, #tpu.memory_space<vmem>> -> memref<1x1x128xi32, #tpu.memory_space<vmem>>
    %dma_start3A_252 = tpu.memref_squeeze %dma_start3A_251 : memref<1x1x128xi32, #tpu.memory_space<vmem>> -> memref<128xi32, #tpu.memory_space<vmem>>
    %dma_start3A_253 = arith.constant 0 : i32
    %dma_start3A_254 = arith.constant 0 : i32
    %dma_start3A_255 = tpu.memref_slice %arg14[%dma_start3A_253, %dma_start3A_254] : memref<10000x16xf32, #tpu.memory_space<vmem_shared>> -> memref<10000x16xf32, #tpu.memory_space<vmem_shared>>
    %dma_start3A_256 = tpu.memref_slice %arg16[%dma_start3A_245] : memref<2x!tpu.dma_semaphore, #tpu.memory_space<semaphore_mem>> -> memref<1x!tpu.dma_semaphore, #tpu.memory_space<semaphore_mem>>
    %dma_start3A_257 = tpu.memref_squeeze %dma_start3A_256 : memref<1x!tpu.dma_semaphore, #tpu.memory_space<semaphore_mem>> -> memref<!tpu.dma_semaphore, #tpu.memory_space<semaphore_mem>>
    tpu.enqueue_indirect_dma source(%dma_start3A_255 : memref<10000x16xf32, #tpu.memory_space<vmem_shared>>) target(%dma_start3A_249 : memref<128x16xf32, #tpu.memory_space<vmem>>) offsets(%dma_start3A_252 : memref<128xi32, #tpu.memory_space<vmem>>) semaphore(%dma_start3A_257 : memref<!tpu.dma_semaphore, #tpu.memory_space<semaphore_mem>>)
    %dma_start3A_258 = arith.constant 1 : i32
    %dma_start3A_259 = arith.constant 1 : i32
    %dma_start3A_260 = arith.constant 1 : i32
    %dma_start3A_261 = arith.constant 1 : i32
    %dma_start3A_262 = arith.constant 128 : i32
    %dma_start3A_263 = arith.constant 0 : i32
    %dma_start3A_264 = tpu.memref_slice %arg11[%dma_start3A_260, %dma_start3A_262, %dma_start3A_263] : memref<2x512x16xf32, #tpu.memory_space<vmem>> -> memref<1x128x16xf32, #tpu.memory_space<vmem>>
    %dma_start3A_265 = tpu.memref_squeeze %dma_start3A_264 : memref<1x128x16xf32, #tpu.memory_space<vmem>> -> memref<128x16xf32, #tpu.memory_space<vmem>>
    %dma_start3A_266 = arith.constant 0 : i32
    %dma_start3A_267 = tpu.memref_slice %arg9[%dma_start3A_258, %dma_start3A_259, %dma_start3A_266] : memref<2x4x128xi32, #tpu.memory_space<vmem>> -> memref<1x1x128xi32, #tpu.memory_space<vmem>>
    %dma_start3A_268 = tpu.memref_squeeze %dma_start3A_267 : memref<1x1x128xi32, #tpu.memory_space<vmem>> -> memref<128xi32, #tpu.memory_space<vmem>>
    %dma_start3A_269 = arith.constant 0 : i32
    %dma_start3A_270 = arith.constant 0 : i32
    %dma_start3A_271 = tpu.memref_slice %arg15[%dma_start3A_269, %dma_start3A_270] : memref<10000x16xf32, #tpu.memory_space<vmem_shared>> -> memref<10000x16xf32, #tpu.memory_space<vmem_shared>>
    %dma_start3A_272 = tpu.memref_slice %arg17[%dma_start3A_261] : memref<2x!tpu.dma_semaphore, #tpu.memory_space<semaphore_mem>> -> memref<1x!tpu.dma_semaphore, #tpu.memory_space<semaphore_mem>>
    %dma_start3A_273 = tpu.memref_squeeze %dma_start3A_272 : memref<1x!tpu.dma_semaphore, #tpu.memory_space<semaphore_mem>> -> memref<!tpu.dma_semaphore, #tpu.memory_space<semaphore_mem>>
    tpu.enqueue_indirect_dma source(%dma_start3A_271 : memref<10000x16xf32, #tpu.memory_space<vmem_shared>>) target(%dma_start3A_265 : memref<128x16xf32, #tpu.memory_space<vmem>>) offsets(%dma_start3A_268 : memref<128xi32, #tpu.memory_space<vmem>>) semaphore(%dma_start3A_273 : memref<!tpu.dma_semaphore, #tpu.memory_space<semaphore_mem>>)
    %dma_start3A_274 = arith.constant 1 : i32
    %dma_start3A_275 = arith.constant 2 : i32
    %dma_start3A_276 = arith.constant 1 : i32
    %dma_start3A_277 = arith.constant 1 : i32
    %dma_start3A_278 = arith.constant 256 : i32
    %dma_start3A_279 = arith.constant 0 : i32
    %dma_start3A_280 = tpu.memref_slice %arg10[%dma_start3A_276, %dma_start3A_278, %dma_start3A_279] : memref<2x512x16xf32, #tpu.memory_space<vmem>> -> memref<1x128x16xf32, #tpu.memory_space<vmem>>
    %dma_start3A_281 = tpu.memref_squeeze %dma_start3A_280 : memref<1x128x16xf32, #tpu.memory_space<vmem>> -> memref<128x16xf32, #tpu.memory_space<vmem>>
    %dma_start3A_282 = arith.constant 0 : i32
    %dma_start3A_283 = tpu.memref_slice %arg8[%dma_start3A_274, %dma_start3A_275, %dma_start3A_282] : memref<2x4x128xi32, #tpu.memory_space<vmem>> -> memref<1x1x128xi32, #tpu.memory_space<vmem>>
    %dma_start3A_284 = tpu.memref_squeeze %dma_start3A_283 : memref<1x1x128xi32, #tpu.memory_space<vmem>> -> memref<128xi32, #tpu.memory_space<vmem>>
    %dma_start3A_285 = arith.constant 0 : i32
    %dma_start3A_286 = arith.constant 0 : i32
    %dma_start3A_287 = tpu.memref_slice %arg14[%dma_start3A_285, %dma_start3A_286] : memref<10000x16xf32, #tpu.memory_space<vmem_shared>> -> memref<10000x16xf32, #tpu.memory_space<vmem_shared>>
    %dma_start3A_288 = tpu.memref_slice %arg16[%dma_start3A_277] : memref<2x!tpu.dma_semaphore, #tpu.memory_space<semaphore_mem>> -> memref<1x!tpu.dma_semaphore, #tpu.memory_space<semaphore_mem>>
    %dma_start3A_289 = tpu.memref_squeeze %dma_start3A_288 : memref<1x!tpu.dma_semaphore, #tpu.memory_space<semaphore_mem>> -> memref<!tpu.dma_semaphore, #tpu.memory_space<semaphore_mem>>
    tpu.enqueue_indirect_dma source(%dma_start3A_287 : memref<10000x16xf32, #tpu.memory_space<vmem_shared>>) target(%dma_start3A_281 : memref<128x16xf32, #tpu.memory_space<vmem>>) offsets(%dma_start3A_284 : memref<128xi32, #tpu.memory_space<vmem>>) semaphore(%dma_start3A_289 : memref<!tpu.dma_semaphore, #tpu.memory_space<semaphore_mem>>)
    %dma_start3A_290 = arith.constant 1 : i32
    %dma_start3A_291 = arith.constant 2 : i32
    %dma_start3A_292 = arith.constant 1 : i32
    %dma_start3A_293 = arith.constant 1 : i32
    %dma_start3A_294 = arith.constant 256 : i32
    %dma_start3A_295 = arith.constant 0 : i32
    %dma_start3A_296 = tpu.memref_slice %arg11[%dma_start3A_292, %dma_start3A_294, %dma_start3A_295] : memref<2x512x16xf32, #tpu.memory_space<vmem>> -> memref<1x128x16xf32, #tpu.memory_space<vmem>>
    %dma_start3A_297 = tpu.memref_squeeze %dma_start3A_296 : memref<1x128x16xf32, #tpu.memory_space<vmem>> -> memref<128x16xf32, #tpu.memory_space<vmem>>
    %dma_start3A_298 = arith.constant 0 : i32
    %dma_start3A_299 = tpu.memref_slice %arg9[%dma_start3A_290, %dma_start3A_291, %dma_start3A_298] : memref<2x4x128xi32, #tpu.memory_space<vmem>> -> memref<1x1x128xi32, #tpu.memory_space<vmem>>
    %dma_start3A_300 = tpu.memref_squeeze %dma_start3A_299 : memref<1x1x128xi32, #tpu.memory_space<vmem>> -> memref<128xi32, #tpu.memory_space<vmem>>
    %dma_start3A_301 = arith.constant 0 : i32
    %dma_start3A_302 = arith.constant 0 : i32
    %dma_start3A_303 = tpu.memref_slice %arg15[%dma_start3A_301, %dma_start3A_302] : memref<10000x16xf32, #tpu.memory_space<vmem_shared>> -> memref<10000x16xf32, #tpu.memory_space<vmem_shared>>
    %dma_start3A_304 = tpu.memref_slice %arg17[%dma_start3A_293] : memref<2x!tpu.dma_semaphore, #tpu.memory_space<semaphore_mem>> -> memref<1x!tpu.dma_semaphore, #tpu.memory_space<semaphore_mem>>
    %dma_start3A_305 = tpu.memref_squeeze %dma_start3A_304 : memref<1x!tpu.dma_semaphore, #tpu.memory_space<semaphore_mem>> -> memref<!tpu.dma_semaphore, #tpu.memory_space<semaphore_mem>>
    tpu.enqueue_indirect_dma source(%dma_start3A_303 : memref<10000x16xf32, #tpu.memory_space<vmem_shared>>) target(%dma_start3A_297 : memref<128x16xf32, #tpu.memory_space<vmem>>) offsets(%dma_start3A_300 : memref<128xi32, #tpu.memory_space<vmem>>) semaphore(%dma_start3A_305 : memref<!tpu.dma_semaphore, #tpu.memory_space<semaphore_mem>>)
    %dma_start3A_306 = arith.constant 1 : i32
    %dma_start3A_307 = arith.constant 3 : i32
    %dma_start3A_308 = arith.constant 1 : i32
    %dma_start3A_309 = arith.constant 1 : i32
    %dma_start3A_310 = arith.constant 384 : i32
    %dma_start3A_311 = arith.constant 0 : i32
    %dma_start3A_312 = tpu.memref_slice %arg10[%dma_start3A_308, %dma_start3A_310, %dma_start3A_311] : memref<2x512x16xf32, #tpu.memory_space<vmem>> -> memref<1x128x16xf32, #tpu.memory_space<vmem>>
    %dma_start3A_313 = tpu.memref_squeeze %dma_start3A_312 : memref<1x128x16xf32, #tpu.memory_space<vmem>> -> memref<128x16xf32, #tpu.memory_space<vmem>>
    %dma_start3A_314 = arith.constant 0 : i32
    %dma_start3A_315 = tpu.memref_slice %arg8[%dma_start3A_306, %dma_start3A_307, %dma_start3A_314] : memref<2x4x128xi32, #tpu.memory_space<vmem>> -> memref<1x1x128xi32, #tpu.memory_space<vmem>>
    %dma_start3A_316 = tpu.memref_squeeze %dma_start3A_315 : memref<1x1x128xi32, #tpu.memory_space<vmem>> -> memref<128xi32, #tpu.memory_space<vmem>>
    %dma_start3A_317 = arith.constant 0 : i32
    %dma_start3A_318 = arith.constant 0 : i32
    %dma_start3A_319 = tpu.memref_slice %arg14[%dma_start3A_317, %dma_start3A_318] : memref<10000x16xf32, #tpu.memory_space<vmem_shared>> -> memref<10000x16xf32, #tpu.memory_space<vmem_shared>>
    %dma_start3A_320 = tpu.memref_slice %arg16[%dma_start3A_309] : memref<2x!tpu.dma_semaphore, #tpu.memory_space<semaphore_mem>> -> memref<1x!tpu.dma_semaphore, #tpu.memory_space<semaphore_mem>>
    %dma_start3A_321 = tpu.memref_squeeze %dma_start3A_320 : memref<1x!tpu.dma_semaphore, #tpu.memory_space<semaphore_mem>> -> memref<!tpu.dma_semaphore, #tpu.memory_space<semaphore_mem>>
    tpu.enqueue_indirect_dma source(%dma_start3A_319 : memref<10000x16xf32, #tpu.memory_space<vmem_shared>>) target(%dma_start3A_313 : memref<128x16xf32, #tpu.memory_space<vmem>>) offsets(%dma_start3A_316 : memref<128xi32, #tpu.memory_space<vmem>>) semaphore(%dma_start3A_321 : memref<!tpu.dma_semaphore, #tpu.memory_space<semaphore_mem>>)
    %dma_start3A_322 = arith.constant 1 : i32
    %dma_start3A_323 = arith.constant 3 : i32
    %dma_start3A_324 = arith.constant 1 : i32
    %dma_start3A_325 = arith.constant 1 : i32
    %dma_start3A_326 = arith.constant 384 : i32
    %dma_start3A_327 = arith.constant 0 : i32
    %dma_start3A_328 = tpu.memref_slice %arg11[%dma_start3A_324, %dma_start3A_326, %dma_start3A_327] : memref<2x512x16xf32, #tpu.memory_space<vmem>> -> memref<1x128x16xf32, #tpu.memory_space<vmem>>
    %dma_start3A_329 = tpu.memref_squeeze %dma_start3A_328 : memref<1x128x16xf32, #tpu.memory_space<vmem>> -> memref<128x16xf32, #tpu.memory_space<vmem>>
    %dma_start3A_330 = arith.constant 0 : i32
    %dma_start3A_331 = tpu.memref_slice %arg9[%dma_start3A_322, %dma_start3A_323, %dma_start3A_330] : memref<2x4x128xi32, #tpu.memory_space<vmem>> -> memref<1x1x128xi32, #tpu.memory_space<vmem>>
    %dma_start3A_332 = tpu.memref_squeeze %dma_start3A_331 : memref<1x1x128xi32, #tpu.memory_space<vmem>> -> memref<128xi32, #tpu.memory_space<vmem>>
    %dma_start3A_333 = arith.constant 0 : i32
    %dma_start3A_334 = arith.constant 0 : i32
    %dma_start3A_335 = tpu.memref_slice %arg15[%dma_start3A_333, %dma_start3A_334] : memref<10000x16xf32, #tpu.memory_space<vmem_shared>> -> memref<10000x16xf32, #tpu.memory_space<vmem_shared>>
    %dma_start3A_336 = tpu.memref_slice %arg17[%dma_start3A_325] : memref<2x!tpu.dma_semaphore, #tpu.memory_space<semaphore_mem>> -> memref<1x!tpu.dma_semaphore, #tpu.memory_space<semaphore_mem>>
    %dma_start3A_337 = tpu.memref_squeeze %dma_start3A_336 : memref<1x!tpu.dma_semaphore, #tpu.memory_space<semaphore_mem>> -> memref<!tpu.dma_semaphore, #tpu.memory_space<semaphore_mem>>
    tpu.enqueue_indirect_dma source(%dma_start3A_335 : memref<10000x16xf32, #tpu.memory_space<vmem_shared>>) target(%dma_start3A_329 : memref<128x16xf32, #tpu.memory_space<vmem>>) offsets(%dma_start3A_332 : memref<128xi32, #tpu.memory_space<vmem>>) semaphore(%dma_start3A_337 : memref<!tpu.dma_semaphore, #tpu.memory_space<semaphore_mem>>)
    %scan3A = arith.constant 0 : i32
    %scan3A_338 = arith.constant 0 : i32
    %scan3A_339 = arith.constant 20 : i32
    %scan3A_340 = arith.addi %scan3A_338, %scan3A_339 : i32
    %scan3A_341 = arith.constant 1 : i32
    scf.for %scan3A_343 = %scan3A_338 to %scan3A_340 step %scan3A_341  : i32 {
      %rem3A = arith.constant 2 : i32
      %rem3A_344 = arith.remsi %scan3A_343, %rem3A : i32
      %dma_wait3A = arith.constant 0 : i32
      %dma_wait3A_345 = arith.constant 0 : i32
      %dma_wait3A_346 = arith.constant 0 : i32
      %dma_wait3A_347 = tpu.memref_slice %arg10[%rem3A_344, %dma_wait3A_345, %dma_wait3A_346] : memref<2x512x16xf32, #tpu.memory_space<vmem>> -> memref<1x128x16xf32, #tpu.memory_space<vmem>>
      %dma_wait3A_348 = tpu.memref_squeeze %dma_wait3A_347 : memref<1x128x16xf32, #tpu.memory_space<vmem>> -> memref<128x16xf32, #tpu.memory_space<vmem>>
      %dma_wait3A_349 = arith.constant 0 : i32
      %dma_wait3A_350 = tpu.memref_slice %arg8[%rem3A_344, %dma_wait3A, %dma_wait3A_349] : memref<2x4x128xi32, #tpu.memory_space<vmem>> -> memref<1x1x128xi32, #tpu.memory_space<vmem>>
      %dma_wait3A_351 = tpu.memref_squeeze %dma_wait3A_350 : memref<1x1x128xi32, #tpu.memory_space<vmem>> -> memref<128xi32, #tpu.memory_space<vmem>>
      %dma_wait3A_352 = arith.constant 0 : i32
      %dma_wait3A_353 = arith.constant 0 : i32
      %dma_wait3A_354 = tpu.memref_slice %arg14[%dma_wait3A_352, %dma_wait3A_353] : memref<10000x16xf32, #tpu.memory_space<vmem_shared>> -> memref<10000x16xf32, #tpu.memory_space<vmem_shared>>
      %dma_wait3A_355 = tpu.memref_slice %arg16[%rem3A_344] : memref<2x!tpu.dma_semaphore, #tpu.memory_space<semaphore_mem>> -> memref<1x!tpu.dma_semaphore, #tpu.memory_space<semaphore_mem>>
      %dma_wait3A_356 = tpu.memref_squeeze %dma_wait3A_355 : memref<1x!tpu.dma_semaphore, #tpu.memory_space<semaphore_mem>> -> memref<!tpu.dma_semaphore, #tpu.memory_space<semaphore_mem>>
      tpu.wait_indirect_dma semaphore(%dma_wait3A_356 : memref<!tpu.dma_semaphore, #tpu.memory_space<semaphore_mem>>) src(%dma_wait3A_354 : memref<10000x16xf32, #tpu.memory_space<vmem_shared>>) dst(%dma_wait3A_348 : memref<128x16xf32, #tpu.memory_space<vmem>>)
      %dma_wait3A_357 = arith.constant 0 : i32
      %dma_wait3A_358 = arith.constant 0 : i32
      %dma_wait3A_359 = arith.constant 0 : i32
      %dma_wait3A_360 = tpu.memref_slice %arg11[%rem3A_344, %dma_wait3A_358, %dma_wait3A_359] : memref<2x512x16xf32, #tpu.memory_space<vmem>> -> memref<1x128x16xf32, #tpu.memory_space<vmem>>
      %dma_wait3A_361 = tpu.memref_squeeze %dma_wait3A_360 : memref<1x128x16xf32, #tpu.memory_space<vmem>> -> memref<128x16xf32, #tpu.memory_space<vmem>>
      %dma_wait3A_362 = arith.constant 0 : i32
      %dma_wait3A_363 = tpu.memref_slice %arg9[%rem3A_344, %dma_wait3A_357, %dma_wait3A_362] : memref<2x4x128xi32, #tpu.memory_space<vmem>> -> memref<1x1x128xi32, #tpu.memory_space<vmem>>
      %dma_wait3A_364 = tpu.memref_squeeze %dma_wait3A_363 : memref<1x1x128xi32, #tpu.memory_space<vmem>> -> memref<128xi32, #tpu.memory_space<vmem>>
      %dma_wait3A_365 = arith.constant 0 : i32
      %dma_wait3A_366 = arith.constant 0 : i32
      %dma_wait3A_367 = tpu.memref_slice %arg15[%dma_wait3A_365, %dma_wait3A_366] : memref<10000x16xf32, #tpu.memory_space<vmem_shared>> -> memref<10000x16xf32, #tpu.memory_space<vmem_shared>>
      %dma_wait3A_368 = tpu.memref_slice %arg17[%rem3A_344] : memref<2x!tpu.dma_semaphore, #tpu.memory_space<semaphore_mem>> -> memref<1x!tpu.dma_semaphore, #tpu.memory_space<semaphore_mem>>
      %dma_wait3A_369 = tpu.memref_squeeze %dma_wait3A_368 : memref<1x!tpu.dma_semaphore, #tpu.memory_space<semaphore_mem>> -> memref<!tpu.dma_semaphore, #tpu.memory_space<semaphore_mem>>
      tpu.wait_indirect_dma semaphore(%dma_wait3A_369 : memref<!tpu.dma_semaphore, #tpu.memory_space<semaphore_mem>>) src(%dma_wait3A_367 : memref<10000x16xf32, #tpu.memory_space<vmem_shared>>) dst(%dma_wait3A_361 : memref<128x16xf32, #tpu.memory_space<vmem>>)
      %dma_wait3A_370 = arith.constant 1 : i32
      %dma_wait3A_371 = arith.constant 128 : i32
      %dma_wait3A_372 = arith.constant 0 : i32
      %dma_wait3A_373 = tpu.memref_slice %arg10[%rem3A_344, %dma_wait3A_371, %dma_wait3A_372] : memref<2x512x16xf32, #tpu.memory_space<vmem>> -> memref<1x128x16xf32, #tpu.memory_space<vmem>>
      %dma_wait3A_374 = tpu.memref_squeeze %dma_wait3A_373 : memref<1x128x16xf32, #tpu.memory_space<vmem>> -> memref<128x16xf32, #tpu.memory_space<vmem>>
      %dma_wait3A_375 = arith.constant 0 : i32
      %dma_wait3A_376 = tpu.memref_slice %arg8[%rem3A_344, %dma_wait3A_370, %dma_wait3A_375] : memref<2x4x128xi32, #tpu.memory_space<vmem>> -> memref<1x1x128xi32, #tpu.memory_space<vmem>>
      %dma_wait3A_377 = tpu.memref_squeeze %dma_wait3A_376 : memref<1x1x128xi32, #tpu.memory_space<vmem>> -> memref<128xi32, #tpu.memory_space<vmem>>
      %dma_wait3A_378 = arith.constant 0 : i32
      %dma_wait3A_379 = arith.constant 0 : i32
      %dma_wait3A_380 = tpu.memref_slice %arg14[%dma_wait3A_378, %dma_wait3A_379] : memref<10000x16xf32, #tpu.memory_space<vmem_shared>> -> memref<10000x16xf32, #tpu.memory_space<vmem_shared>>
      %dma_wait3A_381 = tpu.memref_slice %arg16[%rem3A_344] : memref<2x!tpu.dma_semaphore, #tpu.memory_space<semaphore_mem>> -> memref<1x!tpu.dma_semaphore, #tpu.memory_space<semaphore_mem>>
      %dma_wait3A_382 = tpu.memref_squeeze %dma_wait3A_381 : memref<1x!tpu.dma_semaphore, #tpu.memory_space<semaphore_mem>> -> memref<!tpu.dma_semaphore, #tpu.memory_space<semaphore_mem>>
      tpu.wait_indirect_dma semaphore(%dma_wait3A_382 : memref<!tpu.dma_semaphore, #tpu.memory_space<semaphore_mem>>) src(%dma_wait3A_380 : memref<10000x16xf32, #tpu.memory_space<vmem_shared>>) dst(%dma_wait3A_374 : memref<128x16xf32, #tpu.memory_space<vmem>>)
      %dma_wait3A_383 = arith.constant 1 : i32
      %dma_wait3A_384 = arith.constant 128 : i32
      %dma_wait3A_385 = arith.constant 0 : i32
      %dma_wait3A_386 = tpu.memref_slice %arg11[%rem3A_344, %dma_wait3A_384, %dma_wait3A_385] : memref<2x512x16xf32, #tpu.memory_space<vmem>> -> memref<1x128x16xf32, #tpu.memory_space<vmem>>
      %dma_wait3A_387 = tpu.memref_squeeze %dma_wait3A_386 : memref<1x128x16xf32, #tpu.memory_space<vmem>> -> memref<128x16xf32, #tpu.memory_space<vmem>>
      %dma_wait3A_388 = arith.constant 0 : i32
      %dma_wait3A_389 = tpu.memref_slice %arg9[%rem3A_344, %dma_wait3A_383, %dma_wait3A_388] : memref<2x4x128xi32, #tpu.memory_space<vmem>> -> memref<1x1x128xi32, #tpu.memory_space<vmem>>
      %dma_wait3A_390 = tpu.memref_squeeze %dma_wait3A_389 : memref<1x1x128xi32, #tpu.memory_space<vmem>> -> memref<128xi32, #tpu.memory_space<vmem>>
      %dma_wait3A_391 = arith.constant 0 : i32
      %dma_wait3A_392 = arith.constant 0 : i32
      %dma_wait3A_393 = tpu.memref_slice %arg15[%dma_wait3A_391, %dma_wait3A_392] : memref<10000x16xf32, #tpu.memory_space<vmem_shared>> -> memref<10000x16xf32, #tpu.memory_space<vmem_shared>>
      %dma_wait3A_394 = tpu.memref_slice %arg17[%rem3A_344] : memref<2x!tpu.dma_semaphore, #tpu.memory_space<semaphore_mem>> -> memref<1x!tpu.dma_semaphore, #tpu.memory_space<semaphore_mem>>
      %dma_wait3A_395 = tpu.memref_squeeze %dma_wait3A_394 : memref<1x!tpu.dma_semaphore, #tpu.memory_space<semaphore_mem>> -> memref<!tpu.dma_semaphore, #tpu.memory_space<semaphore_mem>>
      tpu.wait_indirect_dma semaphore(%dma_wait3A_395 : memref<!tpu.dma_semaphore, #tpu.memory_space<semaphore_mem>>) src(%dma_wait3A_393 : memref<10000x16xf32, #tpu.memory_space<vmem_shared>>) dst(%dma_wait3A_387 : memref<128x16xf32, #tpu.memory_space<vmem>>)
      %dma_wait3A_396 = arith.constant 2 : i32
      %dma_wait3A_397 = arith.constant 256 : i32
      %dma_wait3A_398 = arith.constant 0 : i32
      %dma_wait3A_399 = tpu.memref_slice %arg10[%rem3A_344, %dma_wait3A_397, %dma_wait3A_398] : memref<2x512x16xf32, #tpu.memory_space<vmem>> -> memref<1x128x16xf32, #tpu.memory_space<vmem>>
      %dma_wait3A_400 = tpu.memref_squeeze %dma_wait3A_399 : memref<1x128x16xf32, #tpu.memory_space<vmem>> -> memref<128x16xf32, #tpu.memory_space<vmem>>
      %dma_wait3A_401 = arith.constant 0 : i32
      %dma_wait3A_402 = tpu.memref_slice %arg8[%rem3A_344, %dma_wait3A_396, %dma_wait3A_401] : memref<2x4x128xi32, #tpu.memory_space<vmem>> -> memref<1x1x128xi32, #tpu.memory_space<vmem>>
      %dma_wait3A_403 = tpu.memref_squeeze %dma_wait3A_402 : memref<1x1x128xi32, #tpu.memory_space<vmem>> -> memref<128xi32, #tpu.memory_space<vmem>>
      %dma_wait3A_404 = arith.constant 0 : i32
      %dma_wait3A_405 = arith.constant 0 : i32
      %dma_wait3A_406 = tpu.memref_slice %arg14[%dma_wait3A_404, %dma_wait3A_405] : memref<10000x16xf32, #tpu.memory_space<vmem_shared>> -> memref<10000x16xf32, #tpu.memory_space<vmem_shared>>
      %dma_wait3A_407 = tpu.memref_slice %arg16[%rem3A_344] : memref<2x!tpu.dma_semaphore, #tpu.memory_space<semaphore_mem>> -> memref<1x!tpu.dma_semaphore, #tpu.memory_space<semaphore_mem>>
      %dma_wait3A_408 = tpu.memref_squeeze %dma_wait3A_407 : memref<1x!tpu.dma_semaphore, #tpu.memory_space<semaphore_mem>> -> memref<!tpu.dma_semaphore, #tpu.memory_space<semaphore_mem>>
      tpu.wait_indirect_dma semaphore(%dma_wait3A_408 : memref<!tpu.dma_semaphore, #tpu.memory_space<semaphore_mem>>) src(%dma_wait3A_406 : memref<10000x16xf32, #tpu.memory_space<vmem_shared>>) dst(%dma_wait3A_400 : memref<128x16xf32, #tpu.memory_space<vmem>>)
      %dma_wait3A_409 = arith.constant 2 : i32
      %dma_wait3A_410 = arith.constant 256 : i32
      %dma_wait3A_411 = arith.constant 0 : i32
      %dma_wait3A_412 = tpu.memref_slice %arg11[%rem3A_344, %dma_wait3A_410, %dma_wait3A_411] : memref<2x512x16xf32, #tpu.memory_space<vmem>> -> memref<1x128x16xf32, #tpu.memory_space<vmem>>
      %dma_wait3A_413 = tpu.memref_squeeze %dma_wait3A_412 : memref<1x128x16xf32, #tpu.memory_space<vmem>> -> memref<128x16xf32, #tpu.memory_space<vmem>>
      %dma_wait3A_414 = arith.constant 0 : i32
      %dma_wait3A_415 = tpu.memref_slice %arg9[%rem3A_344, %dma_wait3A_409, %dma_wait3A_414] : memref<2x4x128xi32, #tpu.memory_space<vmem>> -> memref<1x1x128xi32, #tpu.memory_space<vmem>>
      %dma_wait3A_416 = tpu.memref_squeeze %dma_wait3A_415 : memref<1x1x128xi32, #tpu.memory_space<vmem>> -> memref<128xi32, #tpu.memory_space<vmem>>
      %dma_wait3A_417 = arith.constant 0 : i32
      %dma_wait3A_418 = arith.constant 0 : i32
      %dma_wait3A_419 = tpu.memref_slice %arg15[%dma_wait3A_417, %dma_wait3A_418] : memref<10000x16xf32, #tpu.memory_space<vmem_shared>> -> memref<10000x16xf32, #tpu.memory_space<vmem_shared>>
      %dma_wait3A_420 = tpu.memref_slice %arg17[%rem3A_344] : memref<2x!tpu.dma_semaphore, #tpu.memory_space<semaphore_mem>> -> memref<1x!tpu.dma_semaphore, #tpu.memory_space<semaphore_mem>>
      %dma_wait3A_421 = tpu.memref_squeeze %dma_wait3A_420 : memref<1x!tpu.dma_semaphore, #tpu.memory_space<semaphore_mem>> -> memref<!tpu.dma_semaphore, #tpu.memory_space<semaphore_mem>>
      tpu.wait_indirect_dma semaphore(%dma_wait3A_421 : memref<!tpu.dma_semaphore, #tpu.memory_space<semaphore_mem>>) src(%dma_wait3A_419 : memref<10000x16xf32, #tpu.memory_space<vmem_shared>>) dst(%dma_wait3A_413 : memref<128x16xf32, #tpu.memory_space<vmem>>)
      %dma_wait3A_422 = arith.constant 3 : i32
      %dma_wait3A_423 = arith.constant 384 : i32
      %dma_wait3A_424 = arith.constant 0 : i32
      %dma_wait3A_425 = tpu.memref_slice %arg10[%rem3A_344, %dma_wait3A_423, %dma_wait3A_424] : memref<2x512x16xf32, #tpu.memory_space<vmem>> -> memref<1x128x16xf32, #tpu.memory_space<vmem>>
      %dma_wait3A_426 = tpu.memref_squeeze %dma_wait3A_425 : memref<1x128x16xf32, #tpu.memory_space<vmem>> -> memref<128x16xf32, #tpu.memory_space<vmem>>
      %dma_wait3A_427 = arith.constant 0 : i32
      %dma_wait3A_428 = tpu.memref_slice %arg8[%rem3A_344, %dma_wait3A_422, %dma_wait3A_427] : memref<2x4x128xi32, #tpu.memory_space<vmem>> -> memref<1x1x128xi32, #tpu.memory_space<vmem>>
      %dma_wait3A_429 = tpu.memref_squeeze %dma_wait3A_428 : memref<1x1x128xi32, #tpu.memory_space<vmem>> -> memref<128xi32, #tpu.memory_space<vmem>>
      %dma_wait3A_430 = arith.constant 0 : i32
      %dma_wait3A_431 = arith.constant 0 : i32
      %dma_wait3A_432 = tpu.memref_slice %arg14[%dma_wait3A_430, %dma_wait3A_431] : memref<10000x16xf32, #tpu.memory_space<vmem_shared>> -> memref<10000x16xf32, #tpu.memory_space<vmem_shared>>
      %dma_wait3A_433 = tpu.memref_slice %arg16[%rem3A_344] : memref<2x!tpu.dma_semaphore, #tpu.memory_space<semaphore_mem>> -> memref<1x!tpu.dma_semaphore, #tpu.memory_space<semaphore_mem>>
      %dma_wait3A_434 = tpu.memref_squeeze %dma_wait3A_433 : memref<1x!tpu.dma_semaphore, #tpu.memory_space<semaphore_mem>> -> memref<!tpu.dma_semaphore, #tpu.memory_space<semaphore_mem>>
      tpu.wait_indirect_dma semaphore(%dma_wait3A_434 : memref<!tpu.dma_semaphore, #tpu.memory_space<semaphore_mem>>) src(%dma_wait3A_432 : memref<10000x16xf32, #tpu.memory_space<vmem_shared>>) dst(%dma_wait3A_426 : memref<128x16xf32, #tpu.memory_space<vmem>>)
      %dma_wait3A_435 = arith.constant 3 : i32
      %dma_wait3A_436 = arith.constant 384 : i32
      %dma_wait3A_437 = arith.constant 0 : i32
      %dma_wait3A_438 = tpu.memref_slice %arg11[%rem3A_344, %dma_wait3A_436, %dma_wait3A_437] : memref<2x512x16xf32, #tpu.memory_space<vmem>> -> memref<1x128x16xf32, #tpu.memory_space<vmem>>
      %dma_wait3A_439 = tpu.memref_squeeze %dma_wait3A_438 : memref<1x128x16xf32, #tpu.memory_space<vmem>> -> memref<128x16xf32, #tpu.memory_space<vmem>>
      %dma_wait3A_440 = arith.constant 0 : i32
      %dma_wait3A_441 = tpu.memref_slice %arg9[%rem3A_344, %dma_wait3A_435, %dma_wait3A_440] : memref<2x4x128xi32, #tpu.memory_space<vmem>> -> memref<1x1x128xi32, #tpu.memory_space<vmem>>
      %dma_wait3A_442 = tpu.memref_squeeze %dma_wait3A_441 : memref<1x1x128xi32, #tpu.memory_space<vmem>> -> memref<128xi32, #tpu.memory_space<vmem>>
      %dma_wait3A_443 = arith.constant 0 : i32
      %dma_wait3A_444 = arith.constant 0 : i32
      %dma_wait3A_445 = tpu.memref_slice %arg15[%dma_wait3A_443, %dma_wait3A_444] : memref<10000x16xf32, #tpu.memory_space<vmem_shared>> -> memref<10000x16xf32, #tpu.memory_space<vmem_shared>>
      %dma_wait3A_446 = tpu.memref_slice %arg17[%rem3A_344] : memref<2x!tpu.dma_semaphore, #tpu.memory_space<semaphore_mem>> -> memref<1x!tpu.dma_semaphore, #tpu.memory_space<semaphore_mem>>
      %dma_wait3A_447 = tpu.memref_squeeze %dma_wait3A_446 : memref<1x!tpu.dma_semaphore, #tpu.memory_space<semaphore_mem>> -> memref<!tpu.dma_semaphore, #tpu.memory_space<semaphore_mem>>
      tpu.wait_indirect_dma semaphore(%dma_wait3A_447 : memref<!tpu.dma_semaphore, #tpu.memory_space<semaphore_mem>>) src(%dma_wait3A_445 : memref<10000x16xf32, #tpu.memory_space<vmem_shared>>) dst(%dma_wait3A_439 : memref<128x16xf32, #tpu.memory_space<vmem>>)
      %scan3A_448 = arith.constant 0 : i32
      %scan3A_449 = arith.constant 0 : i32
      %scan3A_450 = arith.constant 32 : i32
      %scan3A_451 = arith.addi %scan3A_449, %scan3A_450 : i32
      %scan3A_452 = arith.constant 1 : i32
      scf.for %scan3A_463 = %scan3A_449 to %scan3A_451 step %scan3A_452  : i32 {
        %mul3A_464 = arith.constant 16 : i32
        %mul3A_465 = arith.muli %scan3A_463, %mul3A_464 : i32
        %add3A_466 = vector.broadcast %mul3A_465 : i32 to vector<16xi32>
        %add3A_467 = arith.addi %add3A_466, %iota3A : vector<16xi32>
        %broadcast_in_dim3A = arith.constant 0 : i32
        %broadcast_in_dim3A_468 = vector.broadcast %broadcast_in_dim3A : i32 to vector<16xi32>
        %gather3A = arith.constant 0 : i32
        %gather3A_469 = arith.constant 0 : i32
        %gather3A_470 = tpu.memref_slice %arg10[%rem3A_344, %gather3A, %gather3A_469] : memref<2x512x16xf32, #tpu.memory_space<vmem>> -> memref<1x512x16xf32, #tpu.memory_space<vmem>>
        %gather3A_471 = tpu.memref_squeeze %gather3A_470 : memref<1x512x16xf32, #tpu.memory_space<vmem>> -> memref<512x16xf32, #tpu.memory_space<vmem>>
        %gather3A_472 = tpu.vector_load_idx %gather3A_471[%add3A_467, %broadcast_in_dim3A_468] : memref<512x16xf32, #tpu.memory_space<vmem>>[vector<16xi32>, vector<16xi32>], vector<16xf32>,
        %broadcast_in_dim3A_473 = arith.constant 0 : i32
        %broadcast_in_dim3A_474 = vector.broadcast %broadcast_in_dim3A_473 : i32 to vector<16xi32>
        %gather3A_475 = arith.constant 0 : i32
        %gather3A_476 = arith.constant 0 : i32
        %gather3A_477 = tpu.memref_slice %arg11[%rem3A_344, %gather3A_475, %gather3A_476] : memref<2x512x16xf32, #tpu.memory_space<vmem>> -> memref<1x512x16xf32, #tpu.memory_space<vmem>>
        %gather3A_478 = tpu.memref_squeeze %gather3A_477 : memref<1x512x16xf32, #tpu.memory_space<vmem>> -> memref<512x16xf32, #tpu.memory_space<vmem>>
        %gather3A_479 = tpu.vector_load_idx %gather3A_478[%add3A_467, %broadcast_in_dim3A_474] : memref<512x16xf32, #tpu.memory_space<vmem>>[vector<16xi32>, vector<16xi32>], vector<16xf32>,
        %add3A_480 = arith.addf %gather3A_472, %gather3A_479 : vector<16xf32>
        %max3A = arith.constant 0.000000e+00 : f32
        %max3A_481 = vector.broadcast %max3A : f32 to vector<16xf32>
        %max3A_482 = arith.maximumf %add3A_480, %max3A_481 : vector<16xf32>
        %mul3A_483 = arith.mulf %max3A_482, %get3A_7 : vector<16xf32>
        %broadcast_in_dim3A_484 = arith.constant 1 : i32
        %broadcast_in_dim3A_485 = vector.broadcast %broadcast_in_dim3A_484 : i32 to vector<16xi32>
        %gather3A_486 = arith.constant 0 : i32
        %gather3A_487 = arith.constant 0 : i32
        %gather3A_488 = tpu.memref_slice %arg10[%rem3A_344, %gather3A_486, %gather3A_487] : memref<2x512x16xf32, #tpu.memory_space<vmem>> -> memref<1x512x16xf32, #tpu.memory_space<vmem>>
        %gather3A_489 = tpu.memref_squeeze %gather3A_488 : memref<1x512x16xf32, #tpu.memory_space<vmem>> -> memref<512x16xf32, #tpu.memory_space<vmem>>
        %gather3A_490 = tpu.vector_load_idx %gather3A_489[%add3A_467, %broadcast_in_dim3A_485] : memref<512x16xf32, #tpu.memory_space<vmem>>[vector<16xi32>, vector<16xi32>], vector<16xf32>,
        %broadcast_in_dim3A_491 = arith.constant 1 : i32
        %broadcast_in_dim3A_492 = vector.broadcast %broadcast_in_dim3A_491 : i32 to vector<16xi32>
        %gather3A_493 = arith.constant 0 : i32
        %gather3A_494 = arith.constant 0 : i32
        %gather3A_495 = tpu.memref_slice %arg11[%rem3A_344, %gather3A_493, %gather3A_494] : memref<2x512x16xf32, #tpu.memory_space<vmem>> -> memref<1x512x16xf32, #tpu.memory_space<vmem>>
        %gather3A_496 = tpu.memref_squeeze %gather3A_495 : memref<1x512x16xf32, #tpu.memory_space<vmem>> -> memref<512x16xf32, #tpu.memory_space<vmem>>
        %gather3A_497 = tpu.vector_load_idx %gather3A_496[%add3A_467, %broadcast_in_dim3A_492] : memref<512x16xf32, #tpu.memory_space<vmem>>[vector<16xi32>, vector<16xi32>], vector<16xf32>,
        %add3A_498 = arith.addf %gather3A_490, %gather3A_497 : vector<16xf32>
        %max3A_499 = arith.constant 0.000000e+00 : f32
        %max3A_500 = vector.broadcast %max3A_499 : f32 to vector<16xf32>
        %max3A_501 = arith.maximumf %add3A_498, %max3A_500 : vector<16xf32>
        %mul3A_502 = arith.mulf %max3A_501, %get3A_11 : vector<16xf32>
        %broadcast_in_dim3A_503 = arith.constant 2 : i32
        %broadcast_in_dim3A_504 = vector.broadcast %broadcast_in_dim3A_503 : i32 to vector<16xi32>
        %gather3A_505 = arith.constant 0 : i32
        %gather3A_506 = arith.constant 0 : i32
        %gather3A_507 = tpu.memref_slice %arg10[%rem3A_344, %gather3A_505, %gather3A_506] : memref<2x512x16xf32, #tpu.memory_space<vmem>> -> memref<1x512x16xf32, #tpu.memory_space<vmem>>
        %gather3A_508 = tpu.memref_squeeze %gather3A_507 : memref<1x512x16xf32, #tpu.memory_space<vmem>> -> memref<512x16xf32, #tpu.memory_space<vmem>>
        %gather3A_509 = tpu.vector_load_idx %gather3A_508[%add3A_467, %broadcast_in_dim3A_504] : memref<512x16xf32, #tpu.memory_space<vmem>>[vector<16xi32>, vector<16xi32>], vector<16xf32>,
        %broadcast_in_dim3A_510 = arith.constant 2 : i32
        %broadcast_in_dim3A_511 = vector.broadcast %broadcast_in_dim3A_510 : i32 to vector<16xi32>
        %gather3A_512 = arith.constant 0 : i32
        %gather3A_513 = arith.constant 0 : i32
        %gather3A_514 = tpu.memref_slice %arg11[%rem3A_344, %gather3A_512, %gather3A_513] : memref<2x512x16xf32, #tpu.memory_space<vmem>> -> memref<1x512x16xf32, #tpu.memory_space<vmem>>
        %gather3A_515 = tpu.memref_squeeze %gather3A_514 : memref<1x512x16xf32, #tpu.memory_space<vmem>> -> memref<512x16xf32, #tpu.memory_space<vmem>>
        %gather3A_516 = tpu.vector_load_idx %gather3A_515[%add3A_467, %broadcast_in_dim3A_511] : memref<512x16xf32, #tpu.memory_space<vmem>>[vector<16xi32>, vector<16xi32>], vector<16xf32>,
        %add3A_517 = arith.addf %gather3A_509, %gather3A_516 : vector<16xf32>
        %max3A_518 = arith.constant 0.000000e+00 : f32
        %max3A_519 = vector.broadcast %max3A_518 : f32 to vector<16xf32>
        %max3A_520 = arith.maximumf %add3A_517, %max3A_519 : vector<16xf32>
        %mul3A_521 = arith.mulf %max3A_520, %get3A_15 : vector<16xf32>
        %broadcast_in_dim3A_522 = arith.constant 3 : i32
        %broadcast_in_dim3A_523 = vector.broadcast %broadcast_in_dim3A_522 : i32 to vector<16xi32>
        %gather3A_524 = arith.constant 0 : i32
        %gather3A_525 = arith.constant 0 : i32
        %gather3A_526 = tpu.memref_slice %arg10[%rem3A_344, %gather3A_524, %gather3A_525] : memref<2x512x16xf32, #tpu.memory_space<vmem>> -> memref<1x512x16xf32, #tpu.memory_space<vmem>>
        %gather3A_527 = tpu.memref_squeeze %gather3A_526 : memref<1x512x16xf32, #tpu.memory_space<vmem>> -> memref<512x16xf32, #tpu.memory_space<vmem>>
        %gather3A_528 = tpu.vector_load_idx %gather3A_527[%add3A_467, %broadcast_in_dim3A_523] : memref<512x16xf32, #tpu.memory_space<vmem>>[vector<16xi32>, vector<16xi32>], vector<16xf32>,
        %broadcast_in_dim3A_529 = arith.constant 3 : i32
        %broadcast_in_dim3A_530 = vector.broadcast %broadcast_in_dim3A_529 : i32 to vector<16xi32>
        %gather3A_531 = arith.constant 0 : i32
        %gather3A_532 = arith.constant 0 : i32
        %gather3A_533 = tpu.memref_slice %arg11[%rem3A_344, %gather3A_531, %gather3A_532] : memref<2x512x16xf32, #tpu.memory_space<vmem>> -> memref<1x512x16xf32, #tpu.memory_space<vmem>>
        %gather3A_534 = tpu.memref_squeeze %gather3A_533 : memref<1x512x16xf32, #tpu.memory_space<vmem>> -> memref<512x16xf32, #tpu.memory_space<vmem>>
        %gather3A_535 = tpu.vector_load_idx %gather3A_534[%add3A_467, %broadcast_in_dim3A_530] : memref<512x16xf32, #tpu.memory_space<vmem>>[vector<16xi32>, vector<16xi32>], vector<16xf32>,
        %add3A_536 = arith.addf %gather3A_528, %gather3A_535 : vector<16xf32>
        %max3A_537 = arith.constant 0.000000e+00 : f32
        %max3A_538 = vector.broadcast %max3A_537 : f32 to vector<16xf32>
        %max3A_539 = arith.maximumf %add3A_536, %max3A_538 : vector<16xf32>
        %mul3A_540 = arith.mulf %max3A_539, %get3A_19 : vector<16xf32>
        %broadcast_in_dim3A_541 = arith.constant 4 : i32
        %broadcast_in_dim3A_542 = vector.broadcast %broadcast_in_dim3A_541 : i32 to vector<16xi32>
        %gather3A_543 = arith.constant 0 : i32
        %gather3A_544 = arith.constant 0 : i32
        %gather3A_545 = tpu.memref_slice %arg10[%rem3A_344, %gather3A_543, %gather3A_544] : memref<2x512x16xf32, #tpu.memory_space<vmem>> -> memref<1x512x16xf32, #tpu.memory_space<vmem>>
        %gather3A_546 = tpu.memref_squeeze %gather3A_545 : memref<1x512x16xf32, #tpu.memory_space<vmem>> -> memref<512x16xf32, #tpu.memory_space<vmem>>
        %gather3A_547 = tpu.vector_load_idx %gather3A_546[%add3A_467, %broadcast_in_dim3A_542] : memref<512x16xf32, #tpu.memory_space<vmem>>[vector<16xi32>, vector<16xi32>], vector<16xf32>,
        %broadcast_in_dim3A_548 = arith.constant 4 : i32
        %broadcast_in_dim3A_549 = vector.broadcast %broadcast_in_dim3A_548 : i32 to vector<16xi32>
        %gather3A_550 = arith.constant 0 : i32
        %gather3A_551 = arith.constant 0 : i32
        %gather3A_552 = tpu.memref_slice %arg11[%rem3A_344, %gather3A_550, %gather3A_551] : memref<2x512x16xf32, #tpu.memory_space<vmem>> -> memref<1x512x16xf32, #tpu.memory_space<vmem>>
        %gather3A_553 = tpu.memref_squeeze %gather3A_552 : memref<1x512x16xf32, #tpu.memory_space<vmem>> -> memref<512x16xf32, #tpu.memory_space<vmem>>
        %gather3A_554 = tpu.vector_load_idx %gather3A_553[%add3A_467, %broadcast_in_dim3A_549] : memref<512x16xf32, #tpu.memory_space<vmem>>[vector<16xi32>, vector<16xi32>], vector<16xf32>,
        %add3A_555 = arith.addf %gather3A_547, %gather3A_554 : vector<16xf32>
        %max3A_556 = arith.constant 0.000000e+00 : f32
        %max3A_557 = vector.broadcast %max3A_556 : f32 to vector<16xf32>
        %max3A_558 = arith.maximumf %add3A_555, %max3A_557 : vector<16xf32>
        %mul3A_559 = arith.mulf %max3A_558, %get3A_23 : vector<16xf32>
        %broadcast_in_dim3A_560 = arith.constant 5 : i32
        %broadcast_in_dim3A_561 = vector.broadcast %broadcast_in_dim3A_560 : i32 to vector<16xi32>
        %gather3A_562 = arith.constant 0 : i32
        %gather3A_563 = arith.constant 0 : i32
        %gather3A_564 = tpu.memref_slice %arg10[%rem3A_344, %gather3A_562, %gather3A_563] : memref<2x512x16xf32, #tpu.memory_space<vmem>> -> memref<1x512x16xf32, #tpu.memory_space<vmem>>
        %gather3A_565 = tpu.memref_squeeze %gather3A_564 : memref<1x512x16xf32, #tpu.memory_space<vmem>> -> memref<512x16xf32, #tpu.memory_space<vmem>>
        %gather3A_566 = tpu.vector_load_idx %gather3A_565[%add3A_467, %broadcast_in_dim3A_561] : memref<512x16xf32, #tpu.memory_space<vmem>>[vector<16xi32>, vector<16xi32>], vector<16xf32>,
        %broadcast_in_dim3A_567 = arith.constant 5 : i32
        %broadcast_in_dim3A_568 = vector.broadcast %broadcast_in_dim3A_567 : i32 to vector<16xi32>
        %gather3A_569 = arith.constant 0 : i32
        %gather3A_570 = arith.constant 0 : i32
        %gather3A_571 = tpu.memref_slice %arg11[%rem3A_344, %gather3A_569, %gather3A_570] : memref<2x512x16xf32, #tpu.memory_space<vmem>> -> memref<1x512x16xf32, #tpu.memory_space<vmem>>
        %gather3A_572 = tpu.memref_squeeze %gather3A_571 : memref<1x512x16xf32, #tpu.memory_space<vmem>> -> memref<512x16xf32, #tpu.memory_space<vmem>>
        %gather3A_573 = tpu.vector_load_idx %gather3A_572[%add3A_467, %broadcast_in_dim3A_568] : memref<512x16xf32, #tpu.memory_space<vmem>>[vector<16xi32>, vector<16xi32>], vector<16xf32>,
        %add3A_574 = arith.addf %gather3A_566, %gather3A_573 : vector<16xf32>
        %max3A_575 = arith.constant 0.000000e+00 : f32
        %max3A_576 = vector.broadcast %max3A_575 : f32 to vector<16xf32>
        %max3A_577 = arith.maximumf %add3A_574, %max3A_576 : vector<16xf32>
        %mul3A_578 = arith.mulf %max3A_577, %get3A_27 : vector<16xf32>
        %broadcast_in_dim3A_579 = arith.constant 6 : i32
        %broadcast_in_dim3A_580 = vector.broadcast %broadcast_in_dim3A_579 : i32 to vector<16xi32>
        %gather3A_581 = arith.constant 0 : i32
        %gather3A_582 = arith.constant 0 : i32
        %gather3A_583 = tpu.memref_slice %arg10[%rem3A_344, %gather3A_581, %gather3A_582] : memref<2x512x16xf32, #tpu.memory_space<vmem>> -> memref<1x512x16xf32, #tpu.memory_space<vmem>>
        %gather3A_584 = tpu.memref_squeeze %gather3A_583 : memref<1x512x16xf32, #tpu.memory_space<vmem>> -> memref<512x16xf32, #tpu.memory_space<vmem>>
        %gather3A_585 = tpu.vector_load_idx %gather3A_584[%add3A_467, %broadcast_in_dim3A_580] : memref<512x16xf32, #tpu.memory_space<vmem>>[vector<16xi32>, vector<16xi32>], vector<16xf32>,
        %broadcast_in_dim3A_586 = arith.constant 6 : i32
        %broadcast_in_dim3A_587 = vector.broadcast %broadcast_in_dim3A_586 : i32 to vector<16xi32>
        %gather3A_588 = arith.constant 0 : i32
        %gather3A_589 = arith.constant 0 : i32
        %gather3A_590 = tpu.memref_slice %arg11[%rem3A_344, %gather3A_588, %gather3A_589] : memref<2x512x16xf32, #tpu.memory_space<vmem>> -> memref<1x512x16xf32, #tpu.memory_space<vmem>>
        %gather3A_591 = tpu.memref_squeeze %gather3A_590 : memref<1x512x16xf32, #tpu.memory_space<vmem>> -> memref<512x16xf32, #tpu.memory_space<vmem>>
        %gather3A_592 = tpu.vector_load_idx %gather3A_591[%add3A_467, %broadcast_in_dim3A_587] : memref<512x16xf32, #tpu.memory_space<vmem>>[vector<16xi32>, vector<16xi32>], vector<16xf32>,
        %add3A_593 = arith.addf %gather3A_585, %gather3A_592 : vector<16xf32>
        %max3A_594 = arith.constant 0.000000e+00 : f32
        %max3A_595 = vector.broadcast %max3A_594 : f32 to vector<16xf32>
        %max3A_596 = arith.maximumf %add3A_593, %max3A_595 : vector<16xf32>
        %mul3A_597 = arith.mulf %max3A_596, %get3A_31 : vector<16xf32>
        %broadcast_in_dim3A_598 = arith.constant 7 : i32
        %broadcast_in_dim3A_599 = vector.broadcast %broadcast_in_dim3A_598 : i32 to vector<16xi32>
        %gather3A_600 = arith.constant 0 : i32
        %gather3A_601 = arith.constant 0 : i32
        %gather3A_602 = tpu.memref_slice %arg10[%rem3A_344, %gather3A_600, %gather3A_601] : memref<2x512x16xf32, #tpu.memory_space<vmem>> -> memref<1x512x16xf32, #tpu.memory_space<vmem>>
        %gather3A_603 = tpu.memref_squeeze %gather3A_602 : memref<1x512x16xf32, #tpu.memory_space<vmem>> -> memref<512x16xf32, #tpu.memory_space<vmem>>
        %gather3A_604 = tpu.vector_load_idx %gather3A_603[%add3A_467, %broadcast_in_dim3A_599] : memref<512x16xf32, #tpu.memory_space<vmem>>[vector<16xi32>, vector<16xi32>], vector<16xf32>,
        %broadcast_in_dim3A_605 = arith.constant 7 : i32
        %broadcast_in_dim3A_606 = vector.broadcast %broadcast_in_dim3A_605 : i32 to vector<16xi32>
        %gather3A_607 = arith.constant 0 : i32
        %gather3A_608 = arith.constant 0 : i32
        %gather3A_609 = tpu.memref_slice %arg11[%rem3A_344, %gather3A_607, %gather3A_608] : memref<2x512x16xf32, #tpu.memory_space<vmem>> -> memref<1x512x16xf32, #tpu.memory_space<vmem>>
        %gather3A_610 = tpu.memref_squeeze %gather3A_609 : memref<1x512x16xf32, #tpu.memory_space<vmem>> -> memref<512x16xf32, #tpu.memory_space<vmem>>
        %gather3A_611 = tpu.vector_load_idx %gather3A_610[%add3A_467, %broadcast_in_dim3A_606] : memref<512x16xf32, #tpu.memory_space<vmem>>[vector<16xi32>, vector<16xi32>], vector<16xf32>,
        %add3A_612 = arith.addf %gather3A_604, %gather3A_611 : vector<16xf32>
        %max3A_613 = arith.constant 0.000000e+00 : f32
        %max3A_614 = vector.broadcast %max3A_613 : f32 to vector<16xf32>
        %max3A_615 = arith.maximumf %add3A_612, %max3A_614 : vector<16xf32>
        %mul3A_616 = arith.mulf %max3A_615, %get3A_35 : vector<16xf32>
        %broadcast_in_dim3A_617 = arith.constant 8 : i32
        %broadcast_in_dim3A_618 = vector.broadcast %broadcast_in_dim3A_617 : i32 to vector<16xi32>
        %gather3A_619 = arith.constant 0 : i32
        %gather3A_620 = arith.constant 0 : i32
        %gather3A_621 = tpu.memref_slice %arg10[%rem3A_344, %gather3A_619, %gather3A_620] : memref<2x512x16xf32, #tpu.memory_space<vmem>> -> memref<1x512x16xf32, #tpu.memory_space<vmem>>
        %gather3A_622 = tpu.memref_squeeze %gather3A_621 : memref<1x512x16xf32, #tpu.memory_space<vmem>> -> memref<512x16xf32, #tpu.memory_space<vmem>>
        %gather3A_623 = tpu.vector_load_idx %gather3A_622[%add3A_467, %broadcast_in_dim3A_618] : memref<512x16xf32, #tpu.memory_space<vmem>>[vector<16xi32>, vector<16xi32>], vector<16xf32>,
        %broadcast_in_dim3A_624 = arith.constant 8 : i32
        %broadcast_in_dim3A_625 = vector.broadcast %broadcast_in_dim3A_624 : i32 to vector<16xi32>
        %gather3A_626 = arith.constant 0 : i32
        %gather3A_627 = arith.constant 0 : i32
        %gather3A_628 = tpu.memref_slice %arg11[%rem3A_344, %gather3A_626, %gather3A_627] : memref<2x512x16xf32, #tpu.memory_space<vmem>> -> memref<1x512x16xf32, #tpu.memory_space<vmem>>
        %gather3A_629 = tpu.memref_squeeze %gather3A_628 : memref<1x512x16xf32, #tpu.memory_space<vmem>> -> memref<512x16xf32, #tpu.memory_space<vmem>>
        %gather3A_630 = tpu.vector_load_idx %gather3A_629[%add3A_467, %broadcast_in_dim3A_625] : memref<512x16xf32, #tpu.memory_space<vmem>>[vector<16xi32>, vector<16xi32>], vector<16xf32>,
        %add3A_631 = arith.addf %gather3A_623, %gather3A_630 : vector<16xf32>
        %max3A_632 = arith.constant 0.000000e+00 : f32
        %max3A_633 = vector.broadcast %max3A_632 : f32 to vector<16xf32>
        %max3A_634 = arith.maximumf %add3A_631, %max3A_633 : vector<16xf32>
        %mul3A_635 = arith.mulf %max3A_634, %get3A_39 : vector<16xf32>
        %broadcast_in_dim3A_636 = arith.constant 9 : i32
        %broadcast_in_dim3A_637 = vector.broadcast %broadcast_in_dim3A_636 : i32 to vector<16xi32>
        %gather3A_638 = arith.constant 0 : i32
        %gather3A_639 = arith.constant 0 : i32
        %gather3A_640 = tpu.memref_slice %arg10[%rem3A_344, %gather3A_638, %gather3A_639] : memref<2x512x16xf32, #tpu.memory_space<vmem>> -> memref<1x512x16xf32, #tpu.memory_space<vmem>>
        %gather3A_641 = tpu.memref_squeeze %gather3A_640 : memref<1x512x16xf32, #tpu.memory_space<vmem>> -> memref<512x16xf32, #tpu.memory_space<vmem>>
        %gather3A_642 = tpu.vector_load_idx %gather3A_641[%add3A_467, %broadcast_in_dim3A_637] : memref<512x16xf32, #tpu.memory_space<vmem>>[vector<16xi32>, vector<16xi32>], vector<16xf32>,
        %broadcast_in_dim3A_643 = arith.constant 9 : i32
        %broadcast_in_dim3A_644 = vector.broadcast %broadcast_in_dim3A_643 : i32 to vector<16xi32>
        %gather3A_645 = arith.constant 0 : i32
        %gather3A_646 = arith.constant 0 : i32
        %gather3A_647 = tpu.memref_slice %arg11[%rem3A_344, %gather3A_645, %gather3A_646] : memref<2x512x16xf32, #tpu.memory_space<vmem>> -> memref<1x512x16xf32, #tpu.memory_space<vmem>>
        %gather3A_648 = tpu.memref_squeeze %gather3A_647 : memref<1x512x16xf32, #tpu.memory_space<vmem>> -> memref<512x16xf32, #tpu.memory_space<vmem>>
        %gather3A_649 = tpu.vector_load_idx %gather3A_648[%add3A_467, %broadcast_in_dim3A_644] : memref<512x16xf32, #tpu.memory_space<vmem>>[vector<16xi32>, vector<16xi32>], vector<16xf32>,
        %add3A_650 = arith.addf %gather3A_642, %gather3A_649 : vector<16xf32>
        %max3A_651 = arith.constant 0.000000e+00 : f32
        %max3A_652 = vector.broadcast %max3A_651 : f32 to vector<16xf32>
        %max3A_653 = arith.maximumf %add3A_650, %max3A_652 : vector<16xf32>
        %mul3A_654 = arith.mulf %max3A_653, %get3A_43 : vector<16xf32>
        %broadcast_in_dim3A_655 = arith.constant 10 : i32
        %broadcast_in_dim3A_656 = vector.broadcast %broadcast_in_dim3A_655 : i32 to vector<16xi32>
        %gather3A_657 = arith.constant 0 : i32
        %gather3A_658 = arith.constant 0 : i32
        %gather3A_659 = tpu.memref_slice %arg10[%rem3A_344, %gather3A_657, %gather3A_658] : memref<2x512x16xf32, #tpu.memory_space<vmem>> -> memref<1x512x16xf32, #tpu.memory_space<vmem>>
        %gather3A_660 = tpu.memref_squeeze %gather3A_659 : memref<1x512x16xf32, #tpu.memory_space<vmem>> -> memref<512x16xf32, #tpu.memory_space<vmem>>
        %gather3A_661 = tpu.vector_load_idx %gather3A_660[%add3A_467, %broadcast_in_dim3A_656] : memref<512x16xf32, #tpu.memory_space<vmem>>[vector<16xi32>, vector<16xi32>], vector<16xf32>,
        %broadcast_in_dim3A_662 = arith.constant 10 : i32
        %broadcast_in_dim3A_663 = vector.broadcast %broadcast_in_dim3A_662 : i32 to vector<16xi32>
        %gather3A_664 = arith.constant 0 : i32
        %gather3A_665 = arith.constant 0 : i32
        %gather3A_666 = tpu.memref_slice %arg11[%rem3A_344, %gather3A_664, %gather3A_665] : memref<2x512x16xf32, #tpu.memory_space<vmem>> -> memref<1x512x16xf32, #tpu.memory_space<vmem>>
        %gather3A_667 = tpu.memref_squeeze %gather3A_666 : memref<1x512x16xf32, #tpu.memory_space<vmem>> -> memref<512x16xf32, #tpu.memory_space<vmem>>
        %gather3A_668 = tpu.vector_load_idx %gather3A_667[%add3A_467, %broadcast_in_dim3A_663] : memref<512x16xf32, #tpu.memory_space<vmem>>[vector<16xi32>, vector<16xi32>], vector<16xf32>,
        %add3A_669 = arith.addf %gather3A_661, %gather3A_668 : vector<16xf32>
        %max3A_670 = arith.constant 0.000000e+00 : f32
        %max3A_671 = vector.broadcast %max3A_670 : f32 to vector<16xf32>
        %max3A_672 = arith.maximumf %add3A_669, %max3A_671 : vector<16xf32>
        %mul3A_673 = arith.mulf %max3A_672, %get3A_47 : vector<16xf32>
        %broadcast_in_dim3A_674 = arith.constant 11 : i32
        %broadcast_in_dim3A_675 = vector.broadcast %broadcast_in_dim3A_674 : i32 to vector<16xi32>
        %gather3A_676 = arith.constant 0 : i32
        %gather3A_677 = arith.constant 0 : i32
        %gather3A_678 = tpu.memref_slice %arg10[%rem3A_344, %gather3A_676, %gather3A_677] : memref<2x512x16xf32, #tpu.memory_space<vmem>> -> memref<1x512x16xf32, #tpu.memory_space<vmem>>
        %gather3A_679 = tpu.memref_squeeze %gather3A_678 : memref<1x512x16xf32, #tpu.memory_space<vmem>> -> memref<512x16xf32, #tpu.memory_space<vmem>>
        %gather3A_680 = tpu.vector_load_idx %gather3A_679[%add3A_467, %broadcast_in_dim3A_675] : memref<512x16xf32, #tpu.memory_space<vmem>>[vector<16xi32>, vector<16xi32>], vector<16xf32>,
        %broadcast_in_dim3A_681 = arith.constant 11 : i32
        %broadcast_in_dim3A_682 = vector.broadcast %broadcast_in_dim3A_681 : i32 to vector<16xi32>
        %gather3A_683 = arith.constant 0 : i32
        %gather3A_684 = arith.constant 0 : i32
        %gather3A_685 = tpu.memref_slice %arg11[%rem3A_344, %gather3A_683, %gather3A_684] : memref<2x512x16xf32, #tpu.memory_space<vmem>> -> memref<1x512x16xf32, #tpu.memory_space<vmem>>
        %gather3A_686 = tpu.memref_squeeze %gather3A_685 : memref<1x512x16xf32, #tpu.memory_space<vmem>> -> memref<512x16xf32, #tpu.memory_space<vmem>>
        %gather3A_687 = tpu.vector_load_idx %gather3A_686[%add3A_467, %broadcast_in_dim3A_682] : memref<512x16xf32, #tpu.memory_space<vmem>>[vector<16xi32>, vector<16xi32>], vector<16xf32>,
        %add3A_688 = arith.addf %gather3A_680, %gather3A_687 : vector<16xf32>
        %max3A_689 = arith.constant 0.000000e+00 : f32
        %max3A_690 = vector.broadcast %max3A_689 : f32 to vector<16xf32>
        %max3A_691 = arith.maximumf %add3A_688, %max3A_690 : vector<16xf32>
        %mul3A_692 = arith.mulf %max3A_691, %get3A_51 : vector<16xf32>
        %broadcast_in_dim3A_693 = arith.constant 12 : i32
        %broadcast_in_dim3A_694 = vector.broadcast %broadcast_in_dim3A_693 : i32 to vector<16xi32>
        %gather3A_695 = arith.constant 0 : i32
        %gather3A_696 = arith.constant 0 : i32
        %gather3A_697 = tpu.memref_slice %arg10[%rem3A_344, %gather3A_695, %gather3A_696] : memref<2x512x16xf32, #tpu.memory_space<vmem>> -> memref<1x512x16xf32, #tpu.memory_space<vmem>>
        %gather3A_698 = tpu.memref_squeeze %gather3A_697 : memref<1x512x16xf32, #tpu.memory_space<vmem>> -> memref<512x16xf32, #tpu.memory_space<vmem>>
        %gather3A_699 = tpu.vector_load_idx %gather3A_698[%add3A_467, %broadcast_in_dim3A_694] : memref<512x16xf32, #tpu.memory_space<vmem>>[vector<16xi32>, vector<16xi32>], vector<16xf32>,
        %broadcast_in_dim3A_700 = arith.constant 12 : i32
        %broadcast_in_dim3A_701 = vector.broadcast %broadcast_in_dim3A_700 : i32 to vector<16xi32>
        %gather3A_702 = arith.constant 0 : i32
        %gather3A_703 = arith.constant 0 : i32
        %gather3A_704 = tpu.memref_slice %arg11[%rem3A_344, %gather3A_702, %gather3A_703] : memref<2x512x16xf32, #tpu.memory_space<vmem>> -> memref<1x512x16xf32, #tpu.memory_space<vmem>>
        %gather3A_705 = tpu.memref_squeeze %gather3A_704 : memref<1x512x16xf32, #tpu.memory_space<vmem>> -> memref<512x16xf32, #tpu.memory_space<vmem>>
        %gather3A_706 = tpu.vector_load_idx %gather3A_705[%add3A_467, %broadcast_in_dim3A_701] : memref<512x16xf32, #tpu.memory_space<vmem>>[vector<16xi32>, vector<16xi32>], vector<16xf32>,
        %add3A_707 = arith.addf %gather3A_699, %gather3A_706 : vector<16xf32>
        %max3A_708 = arith.constant 0.000000e+00 : f32
        %max3A_709 = vector.broadcast %max3A_708 : f32 to vector<16xf32>
        %max3A_710 = arith.maximumf %add3A_707, %max3A_709 : vector<16xf32>
        %mul3A_711 = arith.mulf %max3A_710, %get3A_55 : vector<16xf32>
        %broadcast_in_dim3A_712 = arith.constant 13 : i32
        %broadcast_in_dim3A_713 = vector.broadcast %broadcast_in_dim3A_712 : i32 to vector<16xi32>
        %gather3A_714 = arith.constant 0 : i32
        %gather3A_715 = arith.constant 0 : i32
        %gather3A_716 = tpu.memref_slice %arg10[%rem3A_344, %gather3A_714, %gather3A_715] : memref<2x512x16xf32, #tpu.memory_space<vmem>> -> memref<1x512x16xf32, #tpu.memory_space<vmem>>
        %gather3A_717 = tpu.memref_squeeze %gather3A_716 : memref<1x512x16xf32, #tpu.memory_space<vmem>> -> memref<512x16xf32, #tpu.memory_space<vmem>>
        %gather3A_718 = tpu.vector_load_idx %gather3A_717[%add3A_467, %broadcast_in_dim3A_713] : memref<512x16xf32, #tpu.memory_space<vmem>>[vector<16xi32>, vector<16xi32>], vector<16xf32>,
        %broadcast_in_dim3A_719 = arith.constant 13 : i32
        %broadcast_in_dim3A_720 = vector.broadcast %broadcast_in_dim3A_719 : i32 to vector<16xi32>
        %gather3A_721 = arith.constant 0 : i32
        %gather3A_722 = arith.constant 0 : i32
        %gather3A_723 = tpu.memref_slice %arg11[%rem3A_344, %gather3A_721, %gather3A_722] : memref<2x512x16xf32, #tpu.memory_space<vmem>> -> memref<1x512x16xf32, #tpu.memory_space<vmem>>
        %gather3A_724 = tpu.memref_squeeze %gather3A_723 : memref<1x512x16xf32, #tpu.memory_space<vmem>> -> memref<512x16xf32, #tpu.memory_space<vmem>>
        %gather3A_725 = tpu.vector_load_idx %gather3A_724[%add3A_467, %broadcast_in_dim3A_720] : memref<512x16xf32, #tpu.memory_space<vmem>>[vector<16xi32>, vector<16xi32>], vector<16xf32>,
        %add3A_726 = arith.addf %gather3A_718, %gather3A_725 : vector<16xf32>
        %max3A_727 = arith.constant 0.000000e+00 : f32
        %max3A_728 = vector.broadcast %max3A_727 : f32 to vector<16xf32>
        %max3A_729 = arith.maximumf %add3A_726, %max3A_728 : vector<16xf32>
        %mul3A_730 = arith.mulf %max3A_729, %get3A_59 : vector<16xf32>
        %broadcast_in_dim3A_731 = arith.constant 14 : i32
        %broadcast_in_dim3A_732 = vector.broadcast %broadcast_in_dim3A_731 : i32 to vector<16xi32>
        %gather3A_733 = arith.constant 0 : i32
        %gather3A_734 = arith.constant 0 : i32
        %gather3A_735 = tpu.memref_slice %arg10[%rem3A_344, %gather3A_733, %gather3A_734] : memref<2x512x16xf32, #tpu.memory_space<vmem>> -> memref<1x512x16xf32, #tpu.memory_space<vmem>>
        %gather3A_736 = tpu.memref_squeeze %gather3A_735 : memref<1x512x16xf32, #tpu.memory_space<vmem>> -> memref<512x16xf32, #tpu.memory_space<vmem>>
        %gather3A_737 = tpu.vector_load_idx %gather3A_736[%add3A_467, %broadcast_in_dim3A_732] : memref<512x16xf32, #tpu.memory_space<vmem>>[vector<16xi32>, vector<16xi32>], vector<16xf32>,
        %broadcast_in_dim3A_738 = arith.constant 14 : i32
        %broadcast_in_dim3A_739 = vector.broadcast %broadcast_in_dim3A_738 : i32 to vector<16xi32>
        %gather3A_740 = arith.constant 0 : i32
        %gather3A_741 = arith.constant 0 : i32
        %gather3A_742 = tpu.memref_slice %arg11[%rem3A_344, %gather3A_740, %gather3A_741] : memref<2x512x16xf32, #tpu.memory_space<vmem>> -> memref<1x512x16xf32, #tpu.memory_space<vmem>>
        %gather3A_743 = tpu.memref_squeeze %gather3A_742 : memref<1x512x16xf32, #tpu.memory_space<vmem>> -> memref<512x16xf32, #tpu.memory_space<vmem>>
        %gather3A_744 = tpu.vector_load_idx %gather3A_743[%add3A_467, %broadcast_in_dim3A_739] : memref<512x16xf32, #tpu.memory_space<vmem>>[vector<16xi32>, vector<16xi32>], vector<16xf32>,
        %add3A_745 = arith.addf %gather3A_737, %gather3A_744 : vector<16xf32>
        %max3A_746 = arith.constant 0.000000e+00 : f32
        %max3A_747 = vector.broadcast %max3A_746 : f32 to vector<16xf32>
        %max3A_748 = arith.maximumf %add3A_745, %max3A_747 : vector<16xf32>
        %mul3A_749 = arith.mulf %max3A_748, %get3A_63 : vector<16xf32>
        %broadcast_in_dim3A_750 = arith.constant 15 : i32
        %broadcast_in_dim3A_751 = vector.broadcast %broadcast_in_dim3A_750 : i32 to vector<16xi32>
        %gather3A_752 = arith.constant 0 : i32
        %gather3A_753 = arith.constant 0 : i32
        %gather3A_754 = tpu.memref_slice %arg10[%rem3A_344, %gather3A_752, %gather3A_753] : memref<2x512x16xf32, #tpu.memory_space<vmem>> -> memref<1x512x16xf32, #tpu.memory_space<vmem>>
        %gather3A_755 = tpu.memref_squeeze %gather3A_754 : memref<1x512x16xf32, #tpu.memory_space<vmem>> -> memref<512x16xf32, #tpu.memory_space<vmem>>
        %gather3A_756 = tpu.vector_load_idx %gather3A_755[%add3A_467, %broadcast_in_dim3A_751] : memref<512x16xf32, #tpu.memory_space<vmem>>[vector<16xi32>, vector<16xi32>], vector<16xf32>,
        %broadcast_in_dim3A_757 = arith.constant 15 : i32
        %broadcast_in_dim3A_758 = vector.broadcast %broadcast_in_dim3A_757 : i32 to vector<16xi32>
        %gather3A_759 = arith.constant 0 : i32
        %gather3A_760 = arith.constant 0 : i32
        %gather3A_761 = tpu.memref_slice %arg11[%rem3A_344, %gather3A_759, %gather3A_760] : memref<2x512x16xf32, #tpu.memory_space<vmem>> -> memref<1x512x16xf32, #tpu.memory_space<vmem>>
        %gather3A_762 = tpu.memref_squeeze %gather3A_761 : memref<1x512x16xf32, #tpu.memory_space<vmem>> -> memref<512x16xf32, #tpu.memory_space<vmem>>
        %gather3A_763 = tpu.vector_load_idx %gather3A_762[%add3A_467, %broadcast_in_dim3A_758] : memref<512x16xf32, #tpu.memory_space<vmem>>[vector<16xi32>, vector<16xi32>], vector<16xf32>,
        %add3A_764 = arith.addf %gather3A_756, %gather3A_763 : vector<16xf32>
        %max3A_765 = arith.constant 0.000000e+00 : f32
        %max3A_766 = vector.broadcast %max3A_765 : f32 to vector<16xf32>
        %max3A_767 = arith.maximumf %add3A_764, %max3A_766 : vector<16xf32>
        %mul3A_768 = arith.mulf %max3A_767, %get3A_67 : vector<16xf32>
        %add3A_769 = arith.addf %mul3A_483, %mul3A_502 : vector<16xf32>
        %add3A_770 = arith.addf %mul3A_521, %mul3A_540 : vector<16xf32>
        %add3A_771 = arith.addf %mul3A_559, %mul3A_578 : vector<16xf32>
        %add3A_772 = arith.addf %mul3A_597, %mul3A_616 : vector<16xf32>
        %add3A_773 = arith.addf %mul3A_635, %mul3A_654 : vector<16xf32>
        %add3A_774 = arith.addf %mul3A_673, %mul3A_692 : vector<16xf32>
        %add3A_775 = arith.addf %mul3A_711, %mul3A_730 : vector<16xf32>
        %add3A_776 = arith.addf %mul3A_749, %mul3A_768 : vector<16xf32>
        %add3A_777 = arith.addf %add3A_769, %add3A_770 : vector<16xf32>
        %add3A_778 = arith.addf %add3A_771, %add3A_772 : vector<16xf32>
        %add3A_779 = arith.addf %add3A_773, %add3A_774 : vector<16xf32>
        %add3A_780 = arith.addf %add3A_775, %add3A_776 : vector<16xf32>
        %add3A_781 = arith.addf %add3A_777, %add3A_778 : vector<16xf32>
        %add3A_782 = arith.addf %add3A_779, %add3A_780 : vector<16xf32>
        %add3A_783 = arith.addf %add3A_781, %add3A_782 : vector<16xf32>
        %add3A_784 = arith.addf %add3A_783, %get3A_71 : vector<16xf32>
        %mul3A_785 = arith.constant 16 : i32
        %mul3A_786 = arith.muli %scan3A_463, %mul3A_785 : i32
        %swap3A = arith.index_cast %mul3A_786 : i32 to index
        %swap3A_787 = tpu.vector_load %arg12[%swap3A] {strides = array<i32>} : memref<512xf32, #tpu.memory_space<vmem>>, vector<16xf32>,
        tpu.vector_store %arg12[%swap3A], %add3A_784 {strides = array<i32>} : memref<512xf32, #tpu.memory_space<vmem>>, vector<16xf32>,
      }
      %scan3A_453 = arith.constant 32 : i32
      %mul3A_454 = arith.constant 512 : i32
      %mul3A_455 = arith.muli %scan3A_343, %mul3A_454 : i32
      %add3A_456 = arith.addi %mul3A_2, %mul3A_455 : i32
      "tpu.region"() ({
        %run_scoped3A_463 = tpu.sem_alloc : memref<!tpu.dma_semaphore, #tpu.memory_space<semaphore_mem>>
        %dma_start3A_464 = tpu.memref_slice %arg7[%add3A_456] : memref<327680xf32, #tpu.memory_space<hbm>> -> memref<512xf32, #tpu.memory_space<hbm>>
        %dma_start3A_465 = tpu.memref_slice %arg7[%add3A_456] : memref<327680xf32, #tpu.memory_space<hbm>> -> memref<512xf32, #tpu.memory_space<hbm>>
        tpu.enqueue_dma source(%arg12 : memref<512xf32, #tpu.memory_space<vmem>>) target(%dma_start3A_465 : memref<512xf32, #tpu.memory_space<hbm>>) target_semaphore(%run_scoped3A_463 : memref<!tpu.dma_semaphore, #tpu.memory_space<semaphore_mem>>)
        %dma_wait3A_466 = tpu.memref_slice %arg7[%add3A_456] : memref<327680xf32, #tpu.memory_space<hbm>> -> memref<512xf32, #tpu.memory_space<hbm>>
        %dma_wait3A_467 = tpu.memref_slice %arg7[%add3A_456] : memref<327680xf32, #tpu.memory_space<hbm>> -> memref<512xf32, #tpu.memory_space<hbm>>
        tpu.wait_dma2 semaphore(%run_scoped3A_463 : memref<!tpu.dma_semaphore, #tpu.memory_space<semaphore_mem>>) src(%arg12 : memref<512xf32, #tpu.memory_space<vmem>>) dst(%dma_wait3A_467 : memref<512xf32, #tpu.memory_space<hbm>>)
        tpu.yield
      }) : () -> ()
      %add3A_457 = arith.constant 2 : i32
      %add3A_458 = arith.addi %scan3A_343, %add3A_457 : i32
      %lt3A = arith.constant 20 : i32
      %lt3A_459 = arith.cmpi slt, %add3A_458, %lt3A : i32
      %convert_element_type3A_460 = arith.extui %lt3A_459 : i1 to i32
      %cond3A_461 = arith.constant 0 : i32
      %cond3A_462 = arith.cmpi ne, %convert_element_type3A_460, %cond3A_461 : i32
      scf.if %cond3A_462 {
        %add3A_463 = arith.constant 2 : i32
        %add3A_464 = arith.addi %scan3A_343, %add3A_463 : i32
        %mul3A_465 = arith.constant 80 : i32
        %mul3A_466 = arith.muli %add3A, %mul3A_465 : i32
        %mul3A_467 = arith.constant 4 : i32
        %mul3A_468 = arith.muli %add3A_464, %mul3A_467 : i32
        %add3A_469 = arith.addi %mul3A_466, %mul3A_468 : i32
        "tpu.region"() ({
          %run_scoped3A_574 = tpu.sem_alloc : memref<!tpu.dma_semaphore, #tpu.memory_space<semaphore_mem>>
          %dma_start3A_575 = arith.constant 0 : i32
          %dma_start3A_576 = arith.constant 0 : i32
          %dma_start3A_577 = tpu.memref_slice %arg8[%rem3A_344, %dma_start3A_575, %dma_start3A_576] : memref<2x4x128xi32, #tpu.memory_space<vmem>> -> memref<1x4x128xi32, #tpu.memory_space<vmem>>
          %dma_start3A_578 = tpu.memref_squeeze %dma_start3A_577 : memref<1x4x128xi32, #tpu.memory_space<vmem>> -> memref<4x128xi32, #tpu.memory_space<vmem>>
          %dma_start3A_579 = arith.constant 0 : i32
          %dma_start3A_580 = tpu.memref_slice %arg2[%add3A_469, %dma_start3A_579] : memref<2560x128xi32, #tpu.memory_space<hbm>> -> memref<4x128xi32, #tpu.memory_space<hbm>>
          %dma_start3A_581 = arith.constant 0 : i32
          %dma_start3A_582 = arith.constant 0 : i32
          %dma_start3A_583 = tpu.memref_slice %arg8[%rem3A_344, %dma_start3A_581, %dma_start3A_582] : memref<2x4x128xi32, #tpu.memory_space<vmem>> -> memref<1x4x128xi32, #tpu.memory_space<vmem>>
          %dma_start3A_584 = tpu.memref_squeeze %dma_start3A_583 : memref<1x4x128xi32, #tpu.memory_space<vmem>> -> memref<4x128xi32, #tpu.memory_space<vmem>>
          %dma_start3A_585 = arith.constant 0 : i32
          %dma_start3A_586 = tpu.memref_slice %arg2[%add3A_469, %dma_start3A_585] : memref<2560x128xi32, #tpu.memory_space<hbm>> -> memref<4x128xi32, #tpu.memory_space<hbm>>
          tpu.enqueue_dma source(%dma_start3A_586 : memref<4x128xi32, #tpu.memory_space<hbm>>) target(%dma_start3A_584 : memref<4x128xi32, #tpu.memory_space<vmem>>) target_semaphore(%run_scoped3A_574 : memref<!tpu.dma_semaphore, #tpu.memory_space<semaphore_mem>>)
          %dma_wait3A_587 = arith.constant 0 : i32
          %dma_wait3A_588 = arith.constant 0 : i32
          %dma_wait3A_589 = tpu.memref_slice %arg8[%rem3A_344, %dma_wait3A_587, %dma_wait3A_588] : memref<2x4x128xi32, #tpu.memory_space<vmem>> -> memref<1x4x128xi32, #tpu.memory_space<vmem>>
          %dma_wait3A_590 = tpu.memref_squeeze %dma_wait3A_589 : memref<1x4x128xi32, #tpu.memory_space<vmem>> -> memref<4x128xi32, #tpu.memory_space<vmem>>
          %dma_wait3A_591 = arith.constant 0 : i32
          %dma_wait3A_592 = tpu.memref_slice %arg2[%add3A_469, %dma_wait3A_591] : memref<2560x128xi32, #tpu.memory_space<hbm>> -> memref<4x128xi32, #tpu.memory_space<hbm>>
          %dma_wait3A_593 = arith.constant 0 : i32
          %dma_wait3A_594 = arith.constant 0 : i32
          %dma_wait3A_595 = tpu.memref_slice %arg8[%rem3A_344, %dma_wait3A_593, %dma_wait3A_594] : memref<2x4x128xi32, #tpu.memory_space<vmem>> -> memref<1x4x128xi32, #tpu.memory_space<vmem>>
          %dma_wait3A_596 = tpu.memref_squeeze %dma_wait3A_595 : memref<1x4x128xi32, #tpu.memory_space<vmem>> -> memref<4x128xi32, #tpu.memory_space<vmem>>
          %dma_wait3A_597 = arith.constant 0 : i32
          %dma_wait3A_598 = tpu.memref_slice %arg2[%add3A_469, %dma_wait3A_597] : memref<2560x128xi32, #tpu.memory_space<hbm>> -> memref<4x128xi32, #tpu.memory_space<hbm>>
          tpu.wait_dma2 semaphore(%run_scoped3A_574 : memref<!tpu.dma_semaphore, #tpu.memory_space<semaphore_mem>>) src(%dma_wait3A_598 : memref<4x128xi32, #tpu.memory_space<hbm>>) dst(%dma_wait3A_596 : memref<4x128xi32, #tpu.memory_space<vmem>>)
          tpu.yield
        }) : () -> ()
        "tpu.region"() ({
          %run_scoped3A_574 = tpu.sem_alloc : memref<!tpu.dma_semaphore, #tpu.memory_space<semaphore_mem>>
          %dma_start3A_575 = arith.constant 0 : i32
          %dma_start3A_576 = arith.constant 0 : i32
          %dma_start3A_577 = tpu.memref_slice %arg9[%rem3A_344, %dma_start3A_575, %dma_start3A_576] : memref<2x4x128xi32, #tpu.memory_space<vmem>> -> memref<1x4x128xi32, #tpu.memory_space<vmem>>
          %dma_start3A_578 = tpu.memref_squeeze %dma_start3A_577 : memref<1x4x128xi32, #tpu.memory_space<vmem>> -> memref<4x128xi32, #tpu.memory_space<vmem>>
          %dma_start3A_579 = arith.constant 0 : i32
          %dma_start3A_580 = tpu.memref_slice %arg3[%add3A_469, %dma_start3A_579] : memref<2560x128xi32, #tpu.memory_space<hbm>> -> memref<4x128xi32, #tpu.memory_space<hbm>>
          %dma_start3A_581 = arith.constant 0 : i32
          %dma_start3A_582 = arith.constant 0 : i32
          %dma_start3A_583 = tpu.memref_slice %arg9[%rem3A_344, %dma_start3A_581, %dma_start3A_582] : memref<2x4x128xi32, #tpu.memory_space<vmem>> -> memref<1x4x128xi32, #tpu.memory_space<vmem>>
          %dma_start3A_584 = tpu.memref_squeeze %dma_start3A_583 : memref<1x4x128xi32, #tpu.memory_space<vmem>> -> memref<4x128xi32, #tpu.memory_space<vmem>>
          %dma_start3A_585 = arith.constant 0 : i32
          %dma_start3A_586 = tpu.memref_slice %arg3[%add3A_469, %dma_start3A_585] : memref<2560x128xi32, #tpu.memory_space<hbm>> -> memref<4x128xi32, #tpu.memory_space<hbm>>
          tpu.enqueue_dma source(%dma_start3A_586 : memref<4x128xi32, #tpu.memory_space<hbm>>) target(%dma_start3A_584 : memref<4x128xi32, #tpu.memory_space<vmem>>) target_semaphore(%run_scoped3A_574 : memref<!tpu.dma_semaphore, #tpu.memory_space<semaphore_mem>>)
          %dma_wait3A_587 = arith.constant 0 : i32
          %dma_wait3A_588 = arith.constant 0 : i32
          %dma_wait3A_589 = tpu.memref_slice %arg9[%rem3A_344, %dma_wait3A_587, %dma_wait3A_588] : memref<2x4x128xi32, #tpu.memory_space<vmem>> -> memref<1x4x128xi32, #tpu.memory_space<vmem>>
          %dma_wait3A_590 = tpu.memref_squeeze %dma_wait3A_589 : memref<1x4x128xi32, #tpu.memory_space<vmem>> -> memref<4x128xi32, #tpu.memory_space<vmem>>
          %dma_wait3A_591 = arith.constant 0 : i32
          %dma_wait3A_592 = tpu.memref_slice %arg3[%add3A_469, %dma_wait3A_591] : memref<2560x128xi32, #tpu.memory_space<hbm>> -> memref<4x128xi32, #tpu.memory_space<hbm>>
          %dma_wait3A_593 = arith.constant 0 : i32
          %dma_wait3A_594 = arith.constant 0 : i32
          %dma_wait3A_595 = tpu.memref_slice %arg9[%rem3A_344, %dma_wait3A_593, %dma_wait3A_594] : memref<2x4x128xi32, #tpu.memory_space<vmem>> -> memref<1x4x128xi32, #tpu.memory_space<vmem>>
          %dma_wait3A_596 = tpu.memref_squeeze %dma_wait3A_595 : memref<1x4x128xi32, #tpu.memory_space<vmem>> -> memref<4x128xi32, #tpu.memory_space<vmem>>
          %dma_wait3A_597 = arith.constant 0 : i32
          %dma_wait3A_598 = tpu.memref_slice %arg3[%add3A_469, %dma_wait3A_597] : memref<2560x128xi32, #tpu.memory_space<hbm>> -> memref<4x128xi32, #tpu.memory_space<hbm>>
          tpu.wait_dma2 semaphore(%run_scoped3A_574 : memref<!tpu.dma_semaphore, #tpu.memory_space<semaphore_mem>>) src(%dma_wait3A_598 : memref<4x128xi32, #tpu.memory_space<hbm>>) dst(%dma_wait3A_596 : memref<4x128xi32, #tpu.memory_space<vmem>>)
          tpu.yield
        }) : () -> ()
        %dma_start3A_470 = arith.constant 0 : i32
        %dma_start3A_471 = arith.constant 0 : i32
        %dma_start3A_472 = arith.constant 0 : i32
        %dma_start3A_473 = tpu.memref_slice %arg10[%rem3A_344, %dma_start3A_471, %dma_start3A_472] : memref<2x512x16xf32, #tpu.memory_space<vmem>> -> memref<1x128x16xf32, #tpu.memory_space<vmem>>
        %dma_start3A_474 = tpu.memref_squeeze %dma_start3A_473 : memref<1x128x16xf32, #tpu.memory_space<vmem>> -> memref<128x16xf32, #tpu.memory_space<vmem>>
        %dma_start3A_475 = arith.constant 0 : i32
        %dma_start3A_476 = tpu.memref_slice %arg8[%rem3A_344, %dma_start3A_470, %dma_start3A_475] : memref<2x4x128xi32, #tpu.memory_space<vmem>> -> memref<1x1x128xi32, #tpu.memory_space<vmem>>
        %dma_start3A_477 = tpu.memref_squeeze %dma_start3A_476 : memref<1x1x128xi32, #tpu.memory_space<vmem>> -> memref<128xi32, #tpu.memory_space<vmem>>
        %dma_start3A_478 = arith.constant 0 : i32
        %dma_start3A_479 = arith.constant 0 : i32
        %dma_start3A_480 = tpu.memref_slice %arg14[%dma_start3A_478, %dma_start3A_479] : memref<10000x16xf32, #tpu.memory_space<vmem_shared>> -> memref<10000x16xf32, #tpu.memory_space<vmem_shared>>
        %dma_start3A_481 = tpu.memref_slice %arg16[%rem3A_344] : memref<2x!tpu.dma_semaphore, #tpu.memory_space<semaphore_mem>> -> memref<1x!tpu.dma_semaphore, #tpu.memory_space<semaphore_mem>>
        %dma_start3A_482 = tpu.memref_squeeze %dma_start3A_481 : memref<1x!tpu.dma_semaphore, #tpu.memory_space<semaphore_mem>> -> memref<!tpu.dma_semaphore, #tpu.memory_space<semaphore_mem>>
        tpu.enqueue_indirect_dma source(%dma_start3A_480 : memref<10000x16xf32, #tpu.memory_space<vmem_shared>>) target(%dma_start3A_474 : memref<128x16xf32, #tpu.memory_space<vmem>>) offsets(%dma_start3A_477 : memref<128xi32, #tpu.memory_space<vmem>>) semaphore(%dma_start3A_482 : memref<!tpu.dma_semaphore, #tpu.memory_space<semaphore_mem>>)
        %dma_start3A_483 = arith.constant 0 : i32
        %dma_start3A_484 = arith.constant 0 : i32
        %dma_start3A_485 = arith.constant 0 : i32
        %dma_start3A_486 = tpu.memref_slice %arg11[%rem3A_344, %dma_start3A_484, %dma_start3A_485] : memref<2x512x16xf32, #tpu.memory_space<vmem>> -> memref<1x128x16xf32, #tpu.memory_space<vmem>>
        %dma_start3A_487 = tpu.memref_squeeze %dma_start3A_486 : memref<1x128x16xf32, #tpu.memory_space<vmem>> -> memref<128x16xf32, #tpu.memory_space<vmem>>
        %dma_start3A_488 = arith.constant 0 : i32
        %dma_start3A_489 = tpu.memref_slice %arg9[%rem3A_344, %dma_start3A_483, %dma_start3A_488] : memref<2x4x128xi32, #tpu.memory_space<vmem>> -> memref<1x1x128xi32, #tpu.memory_space<vmem>>
        %dma_start3A_490 = tpu.memref_squeeze %dma_start3A_489 : memref<1x1x128xi32, #tpu.memory_space<vmem>> -> memref<128xi32, #tpu.memory_space<vmem>>
        %dma_start3A_491 = arith.constant 0 : i32
        %dma_start3A_492 = arith.constant 0 : i32
        %dma_start3A_493 = tpu.memref_slice %arg15[%dma_start3A_491, %dma_start3A_492] : memref<10000x16xf32, #tpu.memory_space<vmem_shared>> -> memref<10000x16xf32, #tpu.memory_space<vmem_shared>>
        %dma_start3A_494 = tpu.memref_slice %arg17[%rem3A_344] : memref<2x!tpu.dma_semaphore, #tpu.memory_space<semaphore_mem>> -> memref<1x!tpu.dma_semaphore, #tpu.memory_space<semaphore_mem>>
        %dma_start3A_495 = tpu.memref_squeeze %dma_start3A_494 : memref<1x!tpu.dma_semaphore, #tpu.memory_space<semaphore_mem>> -> memref<!tpu.dma_semaphore, #tpu.memory_space<semaphore_mem>>
        tpu.enqueue_indirect_dma source(%dma_start3A_493 : memref<10000x16xf32, #tpu.memory_space<vmem_shared>>) target(%dma_start3A_487 : memref<128x16xf32, #tpu.memory_space<vmem>>) offsets(%dma_start3A_490 : memref<128xi32, #tpu.memory_space<vmem>>) semaphore(%dma_start3A_495 : memref<!tpu.dma_semaphore, #tpu.memory_space<semaphore_mem>>)
        %dma_start3A_496 = arith.constant 1 : i32
        %dma_start3A_497 = arith.constant 128 : i32
        %dma_start3A_498 = arith.constant 0 : i32
        %dma_start3A_499 = tpu.memref_slice %arg10[%rem3A_344, %dma_start3A_497, %dma_start3A_498] : memref<2x512x16xf32, #tpu.memory_space<vmem>> -> memref<1x128x16xf32, #tpu.memory_space<vmem>>
        %dma_start3A_500 = tpu.memref_squeeze %dma_start3A_499 : memref<1x128x16xf32, #tpu.memory_space<vmem>> -> memref<128x16xf32, #tpu.memory_space<vmem>>
        %dma_start3A_501 = arith.constant 0 : i32
        %dma_start3A_502 = tpu.memref_slice %arg8[%rem3A_344, %dma_start3A_496, %dma_start3A_501] : memref<2x4x128xi32, #tpu.memory_space<vmem>> -> memref<1x1x128xi32, #tpu.memory_space<vmem>>
        %dma_start3A_503 = tpu.memref_squeeze %dma_start3A_502 : memref<1x1x128xi32, #tpu.memory_space<vmem>> -> memref<128xi32, #tpu.memory_space<vmem>>
        %dma_start3A_504 = arith.constant 0 : i32
        %dma_start3A_505 = arith.constant 0 : i32
        %dma_start3A_506 = tpu.memref_slice %arg14[%dma_start3A_504, %dma_start3A_505] : memref<10000x16xf32, #tpu.memory_space<vmem_shared>> -> memref<10000x16xf32, #tpu.memory_space<vmem_shared>>
        %dma_start3A_507 = tpu.memref_slice %arg16[%rem3A_344] : memref<2x!tpu.dma_semaphore, #tpu.memory_space<semaphore_mem>> -> memref<1x!tpu.dma_semaphore, #tpu.memory_space<semaphore_mem>>
        %dma_start3A_508 = tpu.memref_squeeze %dma_start3A_507 : memref<1x!tpu.dma_semaphore, #tpu.memory_space<semaphore_mem>> -> memref<!tpu.dma_semaphore, #tpu.memory_space<semaphore_mem>>
        tpu.enqueue_indirect_dma source(%dma_start3A_506 : memref<10000x16xf32, #tpu.memory_space<vmem_shared>>) target(%dma_start3A_500 : memref<128x16xf32, #tpu.memory_space<vmem>>) offsets(%dma_start3A_503 : memref<128xi32, #tpu.memory_space<vmem>>) semaphore(%dma_start3A_508 : memref<!tpu.dma_semaphore, #tpu.memory_space<semaphore_mem>>)
        %dma_start3A_509 = arith.constant 1 : i32
        %dma_start3A_510 = arith.constant 128 : i32
        %dma_start3A_511 = arith.constant 0 : i32
        %dma_start3A_512 = tpu.memref_slice %arg11[%rem3A_344, %dma_start3A_510, %dma_start3A_511] : memref<2x512x16xf32, #tpu.memory_space<vmem>> -> memref<1x128x16xf32, #tpu.memory_space<vmem>>
        %dma_start3A_513 = tpu.memref_squeeze %dma_start3A_512 : memref<1x128x16xf32, #tpu.memory_space<vmem>> -> memref<128x16xf32, #tpu.memory_space<vmem>>
        %dma_start3A_514 = arith.constant 0 : i32
        %dma_start3A_515 = tpu.memref_slice %arg9[%rem3A_344, %dma_start3A_509, %dma_start3A_514] : memref<2x4x128xi32, #tpu.memory_space<vmem>> -> memref<1x1x128xi32, #tpu.memory_space<vmem>>
        %dma_start3A_516 = tpu.memref_squeeze %dma_start3A_515 : memref<1x1x128xi32, #tpu.memory_space<vmem>> -> memref<128xi32, #tpu.memory_space<vmem>>
        %dma_start3A_517 = arith.constant 0 : i32
        %dma_start3A_518 = arith.constant 0 : i32
        %dma_start3A_519 = tpu.memref_slice %arg15[%dma_start3A_517, %dma_start3A_518] : memref<10000x16xf32, #tpu.memory_space<vmem_shared>> -> memref<10000x16xf32, #tpu.memory_space<vmem_shared>>
        %dma_start3A_520 = tpu.memref_slice %arg17[%rem3A_344] : memref<2x!tpu.dma_semaphore, #tpu.memory_space<semaphore_mem>> -> memref<1x!tpu.dma_semaphore, #tpu.memory_space<semaphore_mem>>
        %dma_start3A_521 = tpu.memref_squeeze %dma_start3A_520 : memref<1x!tpu.dma_semaphore, #tpu.memory_space<semaphore_mem>> -> memref<!tpu.dma_semaphore, #tpu.memory_space<semaphore_mem>>
        tpu.enqueue_indirect_dma source(%dma_start3A_519 : memref<10000x16xf32, #tpu.memory_space<vmem_shared>>) target(%dma_start3A_513 : memref<128x16xf32, #tpu.memory_space<vmem>>) offsets(%dma_start3A_516 : memref<128xi32, #tpu.memory_space<vmem>>) semaphore(%dma_start3A_521 : memref<!tpu.dma_semaphore, #tpu.memory_space<semaphore_mem>>)
        %dma_start3A_522 = arith.constant 2 : i32
        %dma_start3A_523 = arith.constant 256 : i32
        %dma_start3A_524 = arith.constant 0 : i32
        %dma_start3A_525 = tpu.memref_slice %arg10[%rem3A_344, %dma_start3A_523, %dma_start3A_524] : memref<2x512x16xf32, #tpu.memory_space<vmem>> -> memref<1x128x16xf32, #tpu.memory_space<vmem>>
        %dma_start3A_526 = tpu.memref_squeeze %dma_start3A_525 : memref<1x128x16xf32, #tpu.memory_space<vmem>> -> memref<128x16xf32, #tpu.memory_space<vmem>>
        %dma_start3A_527 = arith.constant 0 : i32
        %dma_start3A_528 = tpu.memref_slice %arg8[%rem3A_344, %dma_start3A_522, %dma_start3A_527] : memref<2x4x128xi32, #tpu.memory_space<vmem>> -> memref<1x1x128xi32, #tpu.memory_space<vmem>>
        %dma_start3A_529 = tpu.memref_squeeze %dma_start3A_528 : memref<1x1x128xi32, #tpu.memory_space<vmem>> -> memref<128xi32, #tpu.memory_space<vmem>>
        %dma_start3A_530 = arith.constant 0 : i32
        %dma_start3A_531 = arith.constant 0 : i32
        %dma_start3A_532 = tpu.memref_slice %arg14[%dma_start3A_530, %dma_start3A_531] : memref<10000x16xf32, #tpu.memory_space<vmem_shared>> -> memref<10000x16xf32, #tpu.memory_space<vmem_shared>>
        %dma_start3A_533 = tpu.memref_slice %arg16[%rem3A_344] : memref<2x!tpu.dma_semaphore, #tpu.memory_space<semaphore_mem>> -> memref<1x!tpu.dma_semaphore, #tpu.memory_space<semaphore_mem>>
        %dma_start3A_534 = tpu.memref_squeeze %dma_start3A_533 : memref<1x!tpu.dma_semaphore, #tpu.memory_space<semaphore_mem>> -> memref<!tpu.dma_semaphore, #tpu.memory_space<semaphore_mem>>
        tpu.enqueue_indirect_dma source(%dma_start3A_532 : memref<10000x16xf32, #tpu.memory_space<vmem_shared>>) target(%dma_start3A_526 : memref<128x16xf32, #tpu.memory_space<vmem>>) offsets(%dma_start3A_529 : memref<128xi32, #tpu.memory_space<vmem>>) semaphore(%dma_start3A_534 : memref<!tpu.dma_semaphore, #tpu.memory_space<semaphore_mem>>)
        %dma_start3A_535 = arith.constant 2 : i32
        %dma_start3A_536 = arith.constant 256 : i32
        %dma_start3A_537 = arith.constant 0 : i32
        %dma_start3A_538 = tpu.memref_slice %arg11[%rem3A_344, %dma_start3A_536, %dma_start3A_537] : memref<2x512x16xf32, #tpu.memory_space<vmem>> -> memref<1x128x16xf32, #tpu.memory_space<vmem>>
        %dma_start3A_539 = tpu.memref_squeeze %dma_start3A_538 : memref<1x128x16xf32, #tpu.memory_space<vmem>> -> memref<128x16xf32, #tpu.memory_space<vmem>>
        %dma_start3A_540 = arith.constant 0 : i32
        %dma_start3A_541 = tpu.memref_slice %arg9[%rem3A_344, %dma_start3A_535, %dma_start3A_540] : memref<2x4x128xi32, #tpu.memory_space<vmem>> -> memref<1x1x128xi32, #tpu.memory_space<vmem>>
        %dma_start3A_542 = tpu.memref_squeeze %dma_start3A_541 : memref<1x1x128xi32, #tpu.memory_space<vmem>> -> memref<128xi32, #tpu.memory_space<vmem>>
        %dma_start3A_543 = arith.constant 0 : i32
        %dma_start3A_544 = arith.constant 0 : i32
        %dma_start3A_545 = tpu.memref_slice %arg15[%dma_start3A_543, %dma_start3A_544] : memref<10000x16xf32, #tpu.memory_space<vmem_shared>> -> memref<10000x16xf32, #tpu.memory_space<vmem_shared>>
        %dma_start3A_546 = tpu.memref_slice %arg17[%rem3A_344] : memref<2x!tpu.dma_semaphore, #tpu.memory_space<semaphore_mem>> -> memref<1x!tpu.dma_semaphore, #tpu.memory_space<semaphore_mem>>
        %dma_start3A_547 = tpu.memref_squeeze %dma_start3A_546 : memref<1x!tpu.dma_semaphore, #tpu.memory_space<semaphore_mem>> -> memref<!tpu.dma_semaphore, #tpu.memory_space<semaphore_mem>>
        tpu.enqueue_indirect_dma source(%dma_start3A_545 : memref<10000x16xf32, #tpu.memory_space<vmem_shared>>) target(%dma_start3A_539 : memref<128x16xf32, #tpu.memory_space<vmem>>) offsets(%dma_start3A_542 : memref<128xi32, #tpu.memory_space<vmem>>) semaphore(%dma_start3A_547 : memref<!tpu.dma_semaphore, #tpu.memory_space<semaphore_mem>>)
        %dma_start3A_548 = arith.constant 3 : i32
        %dma_start3A_549 = arith.constant 384 : i32
        %dma_start3A_550 = arith.constant 0 : i32
        %dma_start3A_551 = tpu.memref_slice %arg10[%rem3A_344, %dma_start3A_549, %dma_start3A_550] : memref<2x512x16xf32, #tpu.memory_space<vmem>> -> memref<1x128x16xf32, #tpu.memory_space<vmem>>
        %dma_start3A_552 = tpu.memref_squeeze %dma_start3A_551 : memref<1x128x16xf32, #tpu.memory_space<vmem>> -> memref<128x16xf32, #tpu.memory_space<vmem>>
        %dma_start3A_553 = arith.constant 0 : i32
        %dma_start3A_554 = tpu.memref_slice %arg8[%rem3A_344, %dma_start3A_548, %dma_start3A_553] : memref<2x4x128xi32, #tpu.memory_space<vmem>> -> memref<1x1x128xi32, #tpu.memory_space<vmem>>
        %dma_start3A_555 = tpu.memref_squeeze %dma_start3A_554 : memref<1x1x128xi32, #tpu.memory_space<vmem>> -> memref<128xi32, #tpu.memory_space<vmem>>
        %dma_start3A_556 = arith.constant 0 : i32
        %dma_start3A_557 = arith.constant 0 : i32
        %dma_start3A_558 = tpu.memref_slice %arg14[%dma_start3A_556, %dma_start3A_557] : memref<10000x16xf32, #tpu.memory_space<vmem_shared>> -> memref<10000x16xf32, #tpu.memory_space<vmem_shared>>
        %dma_start3A_559 = tpu.memref_slice %arg16[%rem3A_344] : memref<2x!tpu.dma_semaphore, #tpu.memory_space<semaphore_mem>> -> memref<1x!tpu.dma_semaphore, #tpu.memory_space<semaphore_mem>>
        %dma_start3A_560 = tpu.memref_squeeze %dma_start3A_559 : memref<1x!tpu.dma_semaphore, #tpu.memory_space<semaphore_mem>> -> memref<!tpu.dma_semaphore, #tpu.memory_space<semaphore_mem>>
        tpu.enqueue_indirect_dma source(%dma_start3A_558 : memref<10000x16xf32, #tpu.memory_space<vmem_shared>>) target(%dma_start3A_552 : memref<128x16xf32, #tpu.memory_space<vmem>>) offsets(%dma_start3A_555 : memref<128xi32, #tpu.memory_space<vmem>>) semaphore(%dma_start3A_560 : memref<!tpu.dma_semaphore, #tpu.memory_space<semaphore_mem>>)
        %dma_start3A_561 = arith.constant 3 : i32
        %dma_start3A_562 = arith.constant 384 : i32
        %dma_start3A_563 = arith.constant 0 : i32
        %dma_start3A_564 = tpu.memref_slice %arg11[%rem3A_344, %dma_start3A_562, %dma_start3A_563] : memref<2x512x16xf32, #tpu.memory_space<vmem>> -> memref<1x128x16xf32, #tpu.memory_space<vmem>>
        %dma_start3A_565 = tpu.memref_squeeze %dma_start3A_564 : memref<1x128x16xf32, #tpu.memory_space<vmem>> -> memref<128x16xf32, #tpu.memory_space<vmem>>
        %dma_start3A_566 = arith.constant 0 : i32
        %dma_start3A_567 = tpu.memref_slice %arg9[%rem3A_344, %dma_start3A_561, %dma_start3A_566] : memref<2x4x128xi32, #tpu.memory_space<vmem>> -> memref<1x1x128xi32, #tpu.memory_space<vmem>>
        %dma_start3A_568 = tpu.memref_squeeze %dma_start3A_567 : memref<1x1x128xi32, #tpu.memory_space<vmem>> -> memref<128xi32, #tpu.memory_space<vmem>>
        %dma_start3A_569 = arith.constant 0 : i32
        %dma_start3A_570 = arith.constant 0 : i32
        %dma_start3A_571 = tpu.memref_slice %arg15[%dma_start3A_569, %dma_start3A_570] : memref<10000x16xf32, #tpu.memory_space<vmem_shared>> -> memref<10000x16xf32, #tpu.memory_space<vmem_shared>>
        %dma_start3A_572 = tpu.memref_slice %arg17[%rem3A_344] : memref<2x!tpu.dma_semaphore, #tpu.memory_space<semaphore_mem>> -> memref<1x!tpu.dma_semaphore, #tpu.memory_space<semaphore_mem>>
        %dma_start3A_573 = tpu.memref_squeeze %dma_start3A_572 : memref<1x!tpu.dma_semaphore, #tpu.memory_space<semaphore_mem>> -> memref<!tpu.dma_semaphore, #tpu.memory_space<semaphore_mem>>
        tpu.enqueue_indirect_dma source(%dma_start3A_571 : memref<10000x16xf32, #tpu.memory_space<vmem_shared>>) target(%dma_start3A_565 : memref<128x16xf32, #tpu.memory_space<vmem>>) offsets(%dma_start3A_568 : memref<128xi32, #tpu.memory_space<vmem>>) semaphore(%dma_start3A_573 : memref<!tpu.dma_semaphore, #tpu.memory_space<semaphore_mem>>)
      } else {
      }
    }
    %scan3A_342 = arith.constant 20 : i32
    return
  }
}

module attributes {stable_mosaic.version = 14 : i64} {
  func.func @_tables_body(%arg0: i32, %arg1: memref<1000x128xf32, #tpu.memory_space<vmem>>, %arg2: memref<128x32xf32, #tpu.memory_space<vmem>>, %arg3: memref<1x32xf32, #tpu.memory_space<vmem>>, %arg4: memref<128x32xf32, #tpu.memory_space<vmem>>, %arg5: memref<1x32xf32, #tpu.memory_space<vmem>>, %arg6: memref<32x16xf32, #tpu.memory_space<vmem>>, %arg7: memref<32x16xf32, #tpu.memory_space<vmem>>, %arg8: memref<1x16xf32, #tpu.memory_space<vmem>>, %arg9: memref<1000x16xf32, #tpu.memory_space<vmem>>, %arg10: memref<1000x16xf32, #tpu.memory_space<vmem>>) attributes {dimension_semantics = [#tpu.dimension_semantics<arbitrary>], iteration_bounds = array<i64: 10>, scalar_prefetch = 0 : i64, scratch_operands = 0 : i64, tpu.core_type = #tpu.core_type<tc>, window_params = [{transform_indices = @transform_0, window_bounds = array<i64: 1000, 128>}, {pipeline_mode = #tpu.pipeline_mode<synchronous>, transform_indices = @transform_1, window_bounds = array<i64: 128, 32>}, {pipeline_mode = #tpu.pipeline_mode<synchronous>, transform_indices = @transform_2, window_bounds = array<i64: 1, 32>}, {pipeline_mode = #tpu.pipeline_mode<synchronous>, transform_indices = @transform_3, window_bounds = array<i64: 128, 32>}, {pipeline_mode = #tpu.pipeline_mode<synchronous>, transform_indices = @transform_4, window_bounds = array<i64: 1, 32>}, {pipeline_mode = #tpu.pipeline_mode<synchronous>, transform_indices = @transform_5, window_bounds = array<i64: 32, 16>}, {pipeline_mode = #tpu.pipeline_mode<synchronous>, transform_indices = @transform_6, window_bounds = array<i64: 32, 16>}, {pipeline_mode = #tpu.pipeline_mode<synchronous>, transform_indices = @transform_7, window_bounds = array<i64: 1, 16>}, {transform_indices = @transform_8, window_bounds = array<i64: 1000, 16>}, {transform_indices = @transform_9, window_bounds = array<i64: 1000, 16>}]} {
    %get3A = arith.constant 0 : index
    %get3A_0 = arith.constant 0 : index
    %get3A_1 = vector.load %arg1[%get3A, %get3A_0] : memref<1000x128xf32, #tpu.memory_space<vmem>>, vector<1000x128xf32>
    %get3A_2 = arith.constant 0 : index
    %get3A_3 = arith.constant 0 : index
    %get3A_4 = vector.load %arg2[%get3A_2, %get3A_3] : memref<128x32xf32, #tpu.memory_space<vmem>>, vector<128x32xf32>
    %dot_general3A = arith.constant dense<0.000000e+00> : vector<1000x32xf32>
    %dot_general3A_5 = tpu.matmul %get3A_1, %get3A_4, %dot_general3A {dimension_numbers = #tpu.dot_dimension_numbers<[1], [0], [0], [1], [0, 0, 1, 1], [], []>, transpose_lhs_hint = false} : vector<1000x128xf32>, vector<128x32xf32>, vector<1000x32xf32> -> vector<1000x32xf32>
    %get3A_6 = arith.constant 0 : index
    %get3A_7 = arith.constant 0 : index
    %get3A_8 = vector.load %arg3[%get3A_6, %get3A_7] : memref<1x32xf32, #tpu.memory_space<vmem>>, vector<1x32xf32>
    %add3A = vector.broadcast %get3A_8 : vector<1x32xf32> to vector<1000x32xf32>
    %add3A_9 = arith.addf %dot_general3A_5, %add3A : vector<1000x32xf32>
    %max3A = arith.constant 0.000000e+00 : f32
    %max3A_10 = vector.broadcast %max3A : f32 to vector<1000x32xf32>
    %max3A_11 = arith.maximumf %add3A_9, %max3A_10 : vector<1000x32xf32>
    %get3A_12 = arith.constant 0 : index
    %get3A_13 = arith.constant 0 : index
    %get3A_14 = vector.load %arg4[%get3A_12, %get3A_13] : memref<128x32xf32, #tpu.memory_space<vmem>>, vector<128x32xf32>
    %dot_general3A_15 = arith.constant dense<0.000000e+00> : vector<1000x32xf32>
    %dot_general3A_16 = tpu.matmul %get3A_1, %get3A_14, %dot_general3A_15 {dimension_numbers = #tpu.dot_dimension_numbers<[1], [0], [0], [1], [0, 0, 1, 1], [], []>, transpose_lhs_hint = false} : vector<1000x128xf32>, vector<128x32xf32>, vector<1000x32xf32> -> vector<1000x32xf32>
    %get3A_17 = arith.constant 0 : index
    %get3A_18 = arith.constant 0 : index
    %get3A_19 = vector.load %arg5[%get3A_17, %get3A_18] : memref<1x32xf32, #tpu.memory_space<vmem>>, vector<1x32xf32>
    %add3A_20 = vector.broadcast %get3A_19 : vector<1x32xf32> to vector<1000x32xf32>
    %add3A_21 = arith.addf %dot_general3A_16, %add3A_20 : vector<1000x32xf32>
    %max3A_22 = arith.constant 0.000000e+00 : f32
    %max3A_23 = vector.broadcast %max3A_22 : f32 to vector<1000x32xf32>
    %max3A_24 = arith.maximumf %add3A_21, %max3A_23 : vector<1000x32xf32>
    %get3A_25 = arith.constant 0 : index
    %get3A_26 = arith.constant 0 : index
    %get3A_27 = vector.load %arg6[%get3A_25, %get3A_26] : memref<32x16xf32, #tpu.memory_space<vmem>>, vector<32x16xf32>
    %dot_general3A_28 = arith.constant dense<0.000000e+00> : vector<1000x16xf32>
    %dot_general3A_29 = tpu.matmul %max3A_11, %get3A_27, %dot_general3A_28 {dimension_numbers = #tpu.dot_dimension_numbers<[1], [0], [0], [1], [0, 0, 1, 1], [], []>, transpose_lhs_hint = false} : vector<1000x32xf32>, vector<32x16xf32>, vector<1000x16xf32> -> vector<1000x16xf32>
    %get3A_30 = arith.constant 0 : index
    %get3A_31 = arith.constant 0 : index
    %get3A_32 = vector.load %arg8[%get3A_30, %get3A_31] : memref<1x16xf32, #tpu.memory_space<vmem>>, vector<1x16xf32>
    %add3A_33 = vector.broadcast %get3A_32 : vector<1x16xf32> to vector<1000x16xf32>
    %add3A_34 = arith.addf %dot_general3A_29, %add3A_33 : vector<1000x16xf32>
    %swap3A = arith.constant 0 : index
    %swap3A_35 = arith.constant 0 : index
    %swap3A_36 = vector.load %arg9[%swap3A, %swap3A_35] : memref<1000x16xf32, #tpu.memory_space<vmem>>, vector<1000x16xf32>
    tpu.vector_store %arg9[%swap3A, %swap3A_35], %add3A_34 {strides = array<i32>} : memref<1000x16xf32, #tpu.memory_space<vmem>>, vector<1000x16xf32>,
    %get3A_37 = arith.constant 0 : index
    %get3A_38 = arith.constant 0 : index
    %get3A_39 = vector.load %arg7[%get3A_37, %get3A_38] : memref<32x16xf32, #tpu.memory_space<vmem>>, vector<32x16xf32>
    %dot_general3A_40 = arith.constant dense<0.000000e+00> : vector<1000x16xf32>
    %dot_general3A_41 = tpu.matmul %max3A_24, %get3A_39, %dot_general3A_40 {dimension_numbers = #tpu.dot_dimension_numbers<[1], [0], [0], [1], [0, 0, 1, 1], [], []>, transpose_lhs_hint = false} : vector<1000x32xf32>, vector<32x16xf32>, vector<1000x16xf32> -> vector<1000x16xf32>
    %swap3A_42 = arith.constant 0 : index
    %swap3A_43 = arith.constant 0 : index
    %swap3A_44 = vector.load %arg10[%swap3A_42, %swap3A_43] : memref<1000x16xf32, #tpu.memory_space<vmem>>, vector<1000x16xf32>
    tpu.vector_store %arg10[%swap3A_42, %swap3A_43], %dot_general3A_41 {strides = array<i32>} : memref<1000x16xf32, #tpu.memory_space<vmem>>, vector<1000x16xf32>,
    return
  }
  func.func @transform_0(%arg0: i32) -> (i32, i32) {
    %c0_i32 = arith.constant 0 : i32
    %c0_i32_0 = arith.constant 0 : i32
    return %arg0, %c0_i32 : i32, i32
  }
  func.func @transform_1(%arg0: i32) -> (i32, i32) {
    %c0_i32 = arith.constant 0 : i32
    %c0_i32_0 = arith.constant 0 : i32
    %c0_i32_1 = arith.constant 0 : i32
    return %c0_i32, %c0_i32_0 : i32, i32
  }
  func.func @transform_2(%arg0: i32) -> (i32, i32) {
    %c0_i32 = arith.constant 0 : i32
    %c0_i32_0 = arith.constant 0 : i32
    %c0_i32_1 = arith.constant 0 : i32
    return %c0_i32, %c0_i32_0 : i32, i32
  }
  func.func @transform_3(%arg0: i32) -> (i32, i32) {
    %c0_i32 = arith.constant 0 : i32
    %c0_i32_0 = arith.constant 0 : i32
    %c0_i32_1 = arith.constant 0 : i32
    return %c0_i32, %c0_i32_0 : i32, i32
  }
  func.func @transform_4(%arg0: i32) -> (i32, i32) {
    %c0_i32 = arith.constant 0 : i32
    %c0_i32_0 = arith.constant 0 : i32
    %c0_i32_1 = arith.constant 0 : i32
    return %c0_i32, %c0_i32_0 : i32, i32
  }
  func.func @transform_5(%arg0: i32) -> (i32, i32) {
    %c0_i32 = arith.constant 0 : i32
    %c0_i32_0 = arith.constant 0 : i32
    %c0_i32_1 = arith.constant 0 : i32
    return %c0_i32, %c0_i32_0 : i32, i32
  }
  func.func @transform_6(%arg0: i32) -> (i32, i32) {
    %c0_i32 = arith.constant 0 : i32
    %c0_i32_0 = arith.constant 0 : i32
    %c0_i32_1 = arith.constant 0 : i32
    return %c0_i32, %c0_i32_0 : i32, i32
  }
  func.func @transform_7(%arg0: i32) -> (i32, i32) {
    %c0_i32 = arith.constant 0 : i32
    %c0_i32_0 = arith.constant 0 : i32
    %c0_i32_1 = arith.constant 0 : i32
    return %c0_i32, %c0_i32_0 : i32, i32
  }
  func.func @transform_8(%arg0: i32) -> (i32, i32) {
    %c0_i32 = arith.constant 0 : i32
    %c0_i32_0 = arith.constant 0 : i32
    return %arg0, %c0_i32 : i32, i32
  }
  func.func @transform_9(%arg0: i32) -> (i32, i32) {
    %c0_i32 = arith.constant 0 : i32
    %c0_i32_0 = arith.constant 0 : i32
    return %arg0, %c0_i32 : i32, i32
  }
}

</mosaic_0001>

<sc_bundles>
// kernel: kernel.4.cloned.1.call-start
scs
__scs_entry_jumppad:
0x0: {  	(pc) =	sbr.rel $0x88, $3  }
0x1: {  	(tag) =	ssettag $0x0;
	lr =	simm.s32 $0x1  }
0x2: {  	[smem:$0x3F97] =	sst lr;
	_ =	strace $0xD0000000  }
0x3: {  	_ = 	snop  }
0x4: {  	_ = 	snop  }
0x5: {  	_ = 	snop  }
0x6: {  	_ = 	snop  }
0x7: {  	_ = 	snop  }
__scs_overlays_trampoline_lowered:
0x8: {  	[smem:$0x3FA6] =	sst s0  }
0x9: {  	[smem:$0x3FA7] =	sst s1  }
0xa: {  	[smem:$0x3FA8] =	sst s2  }
0xb: {  	[smem:$0x3FA9] =	sst s3  }
0xc: {  	[smem:$0x3FAA] =	sst s4  }
0xd: {  	[smem:$0x3FAB] =	sst s5  }
0xe: {  	[smem:$0x3FAC] =	sst s6  }
0xf: {  	[smem:$0x3FAD] =	sst s7  }
0x10: {  	[smem:$0x3FAE] =	sst s8  }
0x11: {  	[smem:$0x3FAF] =	sst s9;
	s0 =	simm.s32 @!p0 $0x0  }
0x12: {  	s1 =	sld [smem:$0x3F95];
	s0 =	simm.s32 @p0 $0x1  }
0x13: {  	[smem:$0x3FB0] =	sst s0;
	s0 =	simm.s32 @!p1 $0x0  }
0x14: {  	s2 =	sld [smem:$0x3F94];
	s0 =	simm.s32 @p1 $0x1  }
0x15: {  	[smem:$0x3FB1] =	sst s0;
	s0 =	simm.s32 @!p2 $0x0  }
0x16: {  	s3 =	sld [smem:$0x3FDB];
	s0 =	simm.s32 @p2 $0x1  }
0x17: {  	s4 =	simm.s32 $0x1BF5;
	[smem:$0x3FB3] =	sst s0  }
0x18: {  	s0 =	sld [smem:$0x3F96];
	_ =	swait.ge [sflag:s4], $0x0  }
0x19: {  	s7 =	sld [smem:$0x3F97]  }
0x1a: {  	s8 =	sadd.s32 $0xFFFFE003, lr  }
0x1b: {  	s9 =	sadd.s32 $0xFFFFFEF7, lr;
	s5 =	simm.s32 $0xFFFFFFFF;
	p2 =	slt.u32 s8, $0xFFFFF086  }
0x1c: {  	p1 =	slt.u32 s9, $0xF7A;
	s5 =	simm.s32 @!p2 $0x0  }
0x1d: {  	s5 =	simm.s32 @p1 $0x1;
	p0 =	seq.s32 s7, s2  }
0x1e: {  	s7 =	smul.u32 @!p0 $0xF7A, s2;
	p2 =	seq.s32 @!p0 s5, $0x0  }
0x1f: {  	s9 =	smul.u32 $0xF7A, s1;
	s8 =	simm.s32 @!p0 $0x1BF5;
	p2 =	por !p2, p0  }
0x20: {  	[sflag:s8] =	ssyncset.s32 @!p0 $0xFFFFF086;
	s6 =	sadd.s32 @!p0 s3, s7;
	s7 =	simm.s32 @!p0 $0x108  }
0x21: {  	s3 =	sadd.s32 s3, s9;
	s6 =	sadd.s32 @!p0 $0x88, s6;
	s7 =	simm.s32 @p2 $0x1082  }
0x22: {  	[simem:s7], [sflag:s8] =	dma.local @!p0 [hbm:s6], $0xF7A  }
0x23: {  	s9 =	sor.u32 $0xD0000000, s2;
	s6 =	simm.s32 $0x108;
	_ =	swait.ge @!p0 [sflag:s8], $0x0  }
0x24: {  	s3 =	sadd.s32 $0x88, s3;
	s6 =	simm.s32 @!p1 $0x1082;
	[sflag:s4] =	ssyncset.s32 $0xFFFFF086  }
0x25: {  	[simem:s6], [sflag:s4] =	dma.local [hbm:s3], $0xF7A  }
0x26: {  	[smem:$0x3F97] =	sst s1;
	(tag) =	ssettag s2;
	_ =	strace s9  }
0x27: {  	s1 =	sld [smem:$0x3FA7]  }
0x28: {  	s2 =	sld [smem:$0x3FA8]  }
0x29: {  	s4 =	sld [smem:$0x3FAA]  }
0x2a: {  	p0 =	seq.s32 s5, $0x0;
	s5 =	sld [smem:$0x3FAB]  }
0x2b: {  	s6 =	sld [smem:$0x3FAC]  }
0x2c: {  	s7 =	sld [smem:$0x3FAD]  }
0x2d: {  	s3 =	simm.s32 $0x108;
	s8 =	sld [smem:$0x3FAE]  }
0x2e: {  	s3 =	simm.s32 @!p0 $0x1082;
	s9 =	sld [smem:$0x3FAF]  }
0x2f: {  	lr =	sadd.s32 s0, s3;
	s0 =	sld [smem:$0x3FA6]  }
0x30: {  	s3 =	sld [smem:$0x3FA9]  }
0x31: {  	[smem:$0x3FB2] =	sst s10  }
0x32: {  	s10 =	sld [smem:$0x3FB0];
	_ =	sdelay $0x3  }
0x33: {  	p0 =	seq.s32 s10, $0x1;
	s10 =	sld [smem:$0x3FB2];
	_ =	sdelay $0x3  }
0x34: {  	[smem:$0x3FB2] =	sst s10  }
0x35: {  	s10 =	sld [smem:$0x3FB1];
	_ =	sdelay $0x3  }
0x36: {  	p1 =	seq.s32 s10, $0x1;
	s10 =	sld [smem:$0x3FB2];
	_ =	sdelay $0x3  }
0x37: {  	[smem:$0x3FB2] =	sst s10  }
0x38: {  	s10 =	sld [smem:$0x3FB3]  }
0x39: {  	_ = 	snop;
	(pc) =	sbr.ind lr, $3  }
0x3a: {  	_ = 	snop  }
0x3b: {  	_ = 	snop  }
0x3c: {  	p2 =	seq.s32 s10, $0x1;
	s10 =	sld [smem:$0x3FB2]  }
0x3d: {  	_ =	shalt  }
0x3e: {  	_ =	shalt  }
0x3f: {  	_ =	shalt  }
0x40: {  	_ =	shalt  }
0x41: {  	_ =	shalt  }
0x42: {  	_ =	shalt  }
0x43: {  	_ =	shalt  }
0x44: {  	_ =	shalt  }
0x45: {  	_ =	shalt  }
0x46: {  	_ =	shalt  }
0x47: {  	_ =	shalt  }
0x48: {  	_ =	shalt  }
0x49: {  	_ =	shalt  }
0x4a: {  	_ =	shalt  }
0x4b: {  	_ =	shalt  }
0x4c: {  	_ =	shalt  }
0x4d: {  	_ =	shalt  }
0x4e: {  	_ =	shalt  }
0x4f: {  	_ =	shalt  }
0x50: {  	_ =	shalt  }
0x51: {  	_ =	shalt  }
0x52: {  	_ =	shalt  }
0x53: {  	_ =	shalt  }
0x54: {  	_ =	shalt  }
0x55: {  	_ =	shalt  }
0x56: {  	_ =	shalt  }
0x57: {  	_ =	shalt  }
0x58: {  	_ =	shalt  }
0x59: {  	_ =	shalt  }
0x5a: {  	_ =	shalt  }
0x5b: {  	_ =	shalt  }
0x5c: {  	_ =	shalt  }
0x5d: {  	_ =	shalt  }
0x5e: {  	_ =	shalt  }
0x5f: {  	_ =	shalt  }
0x60: {  	_ =	shalt  }
0x61: {  	_ =	shalt  }
0x62: {  	_ =	shalt  }
0x63: {  	_ =	shalt  }
0x64: {  	_ =	shalt  }
0x65: {  	_ =	shalt  }
0x66: {  	_ =	shalt  }
0x67: {  	_ =	shalt  }
0x68: {  	_ =	shalt  }
0x69: {  	_ =	shalt  }
0x6a: {  	_ =	shalt  }
0x6b: {  	_ =	shalt  }
0x6c: {  	_ =	shalt  }
0x6d: {  	_ =	shalt  }
0x6e: {  	_ =	shalt  }
0x6f: {  	_ =	shalt  }
0x70: {  	_ =	shalt  }
0x71: {  	_ =	shalt  }
0x72: {  	_ =	shalt  }
0x73: {  	_ =	shalt  }
0x74: {  	_ =	shalt  }
0x75: {  	_ =	shalt  }
0x76: {  	_ =	shalt  }
0x77: {  	_ =	shalt  }
0x78: {  	_ =	shalt  }
0x79: {  	_ =	shalt  }
0x7a: {  	_ =	shalt  }
0x7b: {  	_ =	shalt  }
0x7c: {  	_ =	shalt  }
0x7d: {  	_ =	shalt  }
0x7e: {  	_ =	shalt  }
0x7f: {  	_ =	shalt  }
0x80: {  	_ =	shalt  }
0x81: {  	_ =	shalt  }
0x82: {  	_ =	shalt  }
0x83: {  	_ =	shalt  }
0x84: {  	_ =	shalt  }
0x85: {  	_ =	shalt  }
0x86: {  	_ =	shalt  }
0x87: {  	_ =	shalt  }
.Lfunc_end0:
.L_simem_size_0:
called_computation_lowered:
.L_overlay_start_0:
0x88: {  	s2 =	sld [smem:$0x3FD9]  }
0x89: {  	s3 =	sld [smem:$0x3FFE];
	_ =	sdelay $0x1  }
0x8a: {  	s1 =	srdreg.scid  }
0x8b: {  	s0 =	sand.u32 $0x1, s1  }
0x8c: {  	s17 =	sshll.u32 s0, $0xA;
	s2 =	sadd.s32 s3, s2  }
0x8d: {  	s2 =	sadd.s32 s2, s17  }
0x8e: {  	[smem:$0x3FBE] =	sst s2  }
0x8f: {  	_ = 	snop  }
0x90: {  	s2 =	sld [smem:$0x3FD0];
	(tm) =	ssettm $0x1  }
0x91: {  	s18 =	sld [smem:$0x3FFB];
	_ =	sdelay $0x3  }
0x92: {  	_ =	strace s18  }
0x93: {  	s3 =	sld [smem:$0x3FFC];
	_ =	sdelay $0x3  }
0x94: {  	_ =	strace s3  }
0x95: {  	s3 =	sld [smem:$0x3FFD];
	_ =	sdelay $0x3  }
0x96: {  	_ =	strace s3  }
0x97: {  	_ =	strace $0x8FFFFFFF  }
0x98: {  	s19 =	sld [smem:$0x3FDB];
	_ =	sdelay $0x1  }
0x99: {  	s4 =	simm.s32 $_scs_section_size  }
0x9a: {  	s5 =	simm.s32 $_size__tile_overlayer_lowered;
	s6 =	simm.s32 $_tile_overlayer_lowered  }
0x9b: {  	s22 =	simm.s32 $0x1BFF;
	s21 =	sshll.u32 s6, $0x1;
	s3 =	sadd.s32 s4, s19  }
0x9c: {  	s7 =	simm.s32 $0x0;
	s20 =	sshll.u32 s5, $0x1;
	s5 =	sadd.s32 s21, s3  }
0x9d: {  	[timem:s7], [sflag:s22] =	dma.local [hbm:s5], s20  }
0x9e: {  	_ =	swait.ge [sflag:s22], s20  }
0x9f: {  	s4 =	ssub.s32 $0x0, s20;
	[sflag:s22] =	ssyncset.done $0x0  }
0xa0: {  	[sflag:s22] =	ssyncadd.s32 s4;
	_ =	sdelay $0x1  }
0xa1: {  	s23 =	simm.s32 $0x1B8B  }
0xa2: {  	_ =	swait.ge [sflag:s23], $0x1  }
0xa3: {  	[sflag:s23] =	ssyncset.done $0x0  }
0xa4: {  	s25 =	simm.s32 $0x1B8E;
	s24 =	sld [smem:$0x3FFE];
	[sflag:s23] =	ssyncadd.s32 $0xFFFFFFFF  }
0xa5: {  	s26 =	simm.s32 $execute0_lowered;
	[smem:$0x3FD2] =	sst s25  }
0xa6: {  	s5 =	sshll.u32 s26, $0x1;
	_ =	strace $0x80000046;
	[dreg:$0x1] =	wrdreg $0xFFFFFFFF  }
0xa7: {  	s28 =	simm.s32 $_size_execute0_lowered;
	s3 =	sadd.s32 s3, s5;
	[dreg:$0x0] =	wrdreg $0x0  }
0xa8: {  	s5 =	sshll.u32 s28, $0x1;
	[dreg:$0x2] =	wrdreg s3  }
0xa9: {  	[dreg:$0x3] =	wrdreg s5  }
0xaa: {  	[dreg:$0x4] =	wrdreg $0xC0  }
0xab: {  	_ =	task [dreg:s7], $0x5FFFF  }
0xac: {  	[dreg:$0x1] =	wrdreg $0xFFFFFFFF  }
0xad: {  	[dreg:$0x0] =	wrdreg $0x60  }
0xae: {  	[dreg:$0x2] =	wrdreg s24  }
0xaf: {  	[dreg:$0x3] =	wrdreg s2  }
0xb0: {  	[dreg:$0x4] =	wrdreg $0x8B200  }
0xb1: {  	[dreg:$0x5] =	wrdreg $0xB2300  }
0xb2: {  	[dreg:$0x6] =	wrdreg $0x9  }
0xb3: {  	_ =	task.clear_ibuf [dreg:s7], $0x7FFFF;
	_ =	strace $0x90000046  }
0xb4: {  	s29 =	simm.s32 $0x9;
	_ =	strace $0x80000048  }
0xb5: {  	_ =	swait.ge [sflag:s29], $0x1  }
0xb6: {  	[sflag:s29] =	ssyncadd.s32 $0xFFFFFFFF  }
0xb7: {  	_ =	strace $0x90000048  }
0xb8: {  	_ =	sfence  }
0xb9: {  	s30 =	sld [smem:$0x0];
	_ =	sdelay $0x2  }
0xba: {  	s31 =	sshll.u32 s1, $0xD;
	s1 =	sshrl.u32 s1, $0x2  }
0xbb: {  	s3 =	sand.u32 $0x4000, s31;
	s1 =	sadd.s32 s1, s30  }
0xbc: {  	s0 =	sor.u32 s3, s0;
	s1 =	sshll.u32 s1, $0x11  }
0xbd: {  	s0 =	sor.u32 s1, s0  }
0xbe: {  	s0 =	sadd.s32 $0x8F2B, s0  }
0xbf: {  	[sflag:s0] =	ssyncadd.remote.s32 $0x1  }
0xc0: {  	_ =	sfence.sel $0xFFFF  }
0xc1: {  	[dreg:$0x0] =	wrdreg $0xFFFFFFFF;
	(pc) =	sbr.abs _section_cstart, $3  }
0xc2: {  	[dreg:$0x1] =	wrdreg $0xFFFFFFFF  }
0xc3: {  	_ =	task.clear_ibuf [dreg:s7], $0x2FFFF;
	_ =	strace $0x9FFFFFFF  }
0xc4: {  	(tm) =	ssettm $0x7FFFFFFF  }
0xc5: {  	_ =	shalt  }
tec
execute0_lowered:
.L_overlay_start_1:
0x0: {  	(tag) =	ssettag $0x1  }
0x1: {  	s0 =	rddreg [dreg:$0x0]  }
0x2: {  	s2 =	rddreg [dreg:$0x2]  }
0x3: {  	s3 =	rddreg [dreg:$0x3]  }
0x4: {  	s4 =	simm.s32 $0x0;
	s1 =	srdreg.scid;
	s7 =	stileid.u32  }
0x5: {  	s20 =	simm.s32 $0x5;
	s21 =	simm.s32 $0x400;
	s22 =	simm.s32 $0x80  }
0x6: {  	s19 =	simm.s32 $0x0;
	[smem:$0x7FF] =	sst s4;
	s5 =	sadd.s32 $0xFC00, s0  }
0x7: {  	s6 =	sadd.s32 $0x5C00, s0;
	s1 =	sand.u32 $0x1, s1;
	s8 =	sshll.u32 s7, $0x1  }
0x8: {  	s9 =	sadd.s32 $0xC00, s0;
	s25 =	sadd.s32 $0x19C00, s0;
	p0 =	sne.s32 s7, $0x0  }
0x9: {  	_ =	strace $0x80000047;
	[dreg:$0x5] =	wrdreg s9;
	s10 =	ssub.s32 $0x2, s1  }
0xa: {  	s1 =	sor.u32 s1, s8;
	[dreg:$0x6] =	wrdreg s25;
	s9 =	sadd.s32 $0x19E00, s0  }
0xb: {  	s17 =	sshrl.u32 @!p0 s2, $0x3;
	s26 =	sshrl.u32 s10, $0x1;
	s13 =	smul.u32 $0x500, s1  }
0xc: {  	s18 =	sshrl.u32 @!p0 s3, $0x3;
	s25 =	simm.s32 $0x200;
	s28 =	ssub.s32 s10, s26  }
0xd: {  	s10 =	smul.u32 $0x2800, s1;
	s26 =	simm.s32 $0x600;
	s29 =	sadd.s32 s5, s13  }
0xe: {  	s1 =	simm.s32 $0x8800;
	s30 =	sadd.s32 s6, s13;
	[dreg:$0x7] =	wrdreg s29  }
0xf: {  	v0 =	vlaneseq.u32;
	s31 =	sor.u32 $0x40, s13;
	s16 =	smax.u32 s28, $0x1;
	[dreg:$0x8] =	wrdreg s30  }
0x10: {  	v0 =	vmul.u32 $0x10, v0;
	s13 =	sadd.s32 s5, s31;
	s14 =	sadd.s32 s6, s31;
	s15 =	sor.u32 $0x400, s10  }
.LBB2_1:
0x11: {  	s0 =	simm.s32 @!p0 $0x1C05;
	s7 =	rddreg [dreg:$0x1]  }
0x12: {  	[spmem:s17], [sflag:s0] =	dma.local @!p0 [hbm:s7], $0x4E20  }
0x13: {  	s7 =	simm.s32 @!p0 $0x5  }
0x14: {  	_ =	swait.ge @!p0 [sflag:s7], $0x4E20  }
0x15: {  	[sflag:s7] =	ssyncset.done @!p0 $0x0  }
0x16: {  	s8 =	rddreg [dreg:$0x5];
	[sflag:s7] =	ssyncadd.s32 @!p0 $0xFFFFB1E0  }
0x17: {  	[spmem:s18], [sflag:s0] =	dma.local @!p0 [hbm:s8], $0x4E20  }
0x18: {  	_ =	swait.ge @!p0 [sflag:s7], $0x4E20  }
0x19: {  	[sflag:s7] =	ssyncset.done @!p0 $0x0  }
0x1a: {  	[sflag:s7] =	ssyncadd.s32 @!p0 $0xFFFFB1E0  }
0x1b: {  	[bflag:$0x0] =	sbarrier.arrive $0xFFFF  }
0x1c: {  	s31 =	simm.s32 $0x8A00;
	s30 =	rddreg [dreg:$0x6]  }
0x1d: {  	[tilespmem:s31], [sflag:$0x5] =	stream.linear.gather [hbm4b:s30+s4], $0x120, $0x38;
	[tilespmem:$0xD940] =	vst v63  }
0x1e: {  	_ =	swait.ge [sflag:s20], $0x120  }
0x1f: {  	[sflag:s20] =	ssyncset.done $0x0  }
0x20: {  	[sflag:s20] =	ssyncadd.s32 $0xFFFFFEE0  }
0x21: {  	v1 =	vld [tilespmem:$0x8A00]  }
0x22: {  	v2 =	vld [tilespmem:$0x8A10]  }
0x23: {  	v3 =	vld [tilespmem:$0x8A20]  }
0x24: {  	v4 =	vld [tilespmem:$0x8A30]  }
0x25: {  	v5 =	vld [tilespmem:$0x8A40]  }
0x26: {  	v6 =	vld [tilespmem:$0x8A50]  }
0x27: {  	v7 =	vld [tilespmem:$0x8A60]  }
0x28: {  	v8 =	vld [tilespmem:$0x8A70]  }
0x29: {  	v9 =	vld [tilespmem:$0x8A80]  }
0x2a: {  	v10 =	vld [tilespmem:$0x8A90]  }
0x2b: {  	v11 =	vld [tilespmem:$0x8AA0]  }
0x2c: {  	v12 =	vld [tilespmem:$0x8AB0]  }
0x2d: {  	v13 =	vld [tilespmem:$0x8AC0]  }
0x2e: {  	v14 =	vld [tilespmem:$0x8AD0]  }
0x2f: {  	v15 =	vld [tilespmem:$0x8AE0]  }
0x30: {  	s8 =	rddreg [dreg:$0x7];
	v16 =	vld [tilespmem:$0x8AF0]  }
0x31: {  	v17 =	vld [tilespmem:$0x8B00];
	[tilespmem:s4], [sflag:$0x5] =	stream.linear.gather [hbm4b:s8+s4], $0x200, $0x38  }
0x32: {  	_ =	swait.ge [sflag:s20], $0x200  }
0x33: {  	[sflag:s20] =	ssyncset.done $0x0  }
0x34: {  	s11 =	rddreg [dreg:$0x8];
	[sflag:s20] =	ssyncadd.s32 $0xFFFFFE00  }
0x35: {  	[tilespmem:s21], [sflag:$0x5] =	stream.linear.gather [hbm4b:s11+s4], $0x200, $0x38;
	[tilespmem:$0xD940] =	vst v63  }
0x36: {  	_ =	swait.ge [sflag:s20], $0x200  }
0x37: {  	[sflag:s20] =	ssyncset.done $0x0  }
0x38: {  	s12 =	simm.s32 $0x800;
	[sflag:s20] =	ssyncadd.s32 $0xFFFFFE00  }
0x39: {  	[tilespmem:s12], [sflag:$0x1] =	stream.indirect.gather [spmem:s2], $0x10, s4, s22, $0xb8;
	[tilespmem:$0xD940] =	vst v63  }
0x3a: {  	s23 =	simm.s32 $0x4800  }
0x3b: {  	[tilespmem:s23], [sflag:$0x3] =	stream.indirect.gather [spmem:s3], $0x10, s21, s22, $0xb8;
	[tilespmem:$0xD940] =	vst v63  }
0x3c: {  	s24 =	simm.s32 $0x1000  }
0x3d: {  	[tilespmem:s24], [sflag:$0x1] =	stream.indirect.gather [spmem:s2], $0x10, s22, s22, $0xb8;
	[tilespmem:$0xD940] =	vst v63  }
0x3e: {  	s28 =	simm.s32 $0x480;
	s29 =	simm.s32 $0x5000  }
0x3f: {  	[tilespmem:s29], [sflag:$0x3] =	stream.indirect.gather [spmem:s3], $0x10, s28, s22, $0xb8;
	[tilespmem:$0xD940] =	vst v63  }
0x40: {  	s30 =	simm.s32 $0x100;
	s31 =	simm.s32 $0x1800  }
0x41: {  	[tilespmem:s31], [sflag:$0x1] =	stream.indirect.gather [spmem:s2], $0x10, s30, s22, $0xb8;
	[tilespmem:$0xD940] =	vst v63  }
0x42: {  	s7 =	simm.s32 $0x500;
	s8 =	simm.s32 $0x5800  }
0x43: {  	[tilespmem:s8], [sflag:$0x3] =	stream.indirect.gather [spmem:s3], $0x10, s7, s22, $0xb8;
	[tilespmem:$0xD940] =	vst v63  }
0x44: {  	s11 =	simm.s32 $0x180;
	s12 =	simm.s32 $0x2000  }
0x45: {  	[tilespmem:s12], [sflag:$0x1] =	stream.indirect.gather [spmem:s2], $0x10, s11, s22, $0xb8;
	[tilespmem:$0xD940] =	vst v63  }
0x46: {  	s23 =	simm.s32 $0x580;
	s24 =	simm.s32 $0x6000  }
0x47: {  	[tilespmem:s24], [sflag:$0x3] =	stream.indirect.gather [spmem:s3], $0x10, s23, s22, $0xb8;
	[tilespmem:$0xD940] =	vst v63  }
0x48: {  	_ = 	snop  }
0x49: {  	[tilespmem:s25], [sflag:$0x5] =	stream.linear.gather [hbm4b:s13+s4], $0x200, $0x38;
	[tilespmem:$0xD940] =	vst v63  }
0x4a: {  	_ =	swait.ge [sflag:s20], $0x200  }
0x4b: {  	[sflag:s20] =	ssyncset.done $0x0  }
0x4c: {  	[sflag:s20] =	ssyncadd.s32 $0xFFFFFE00  }
0x4d: {  	[tilespmem:s26], [sflag:$0x5] =	stream.linear.gather [hbm4b:s14+s4], $0x200, $0x38;
	[tilespmem:$0xD940] =	vst v63  }
0x4e: {  	_ =	swait.ge [sflag:s20], $0x200  }
0x4f: {  	[sflag:s20] =	ssyncset.done $0x0  }
0x50: {  	s28 =	simm.s32 $0x2800;
	[sflag:s20] =	ssyncadd.s32 $0xFFFFFE00  }
0x51: {  	[tilespmem:s28], [sflag:$0x2] =	stream.indirect.gather [spmem:s2], $0x10, s25, s22, $0xb8;
	[tilespmem:$0xD940] =	vst v63  }
0x52: {  	s29 =	simm.s32 $0x6800  }
0x53: {  	[tilespmem:s29], [sflag:$0x4] =	stream.indirect.gather [spmem:s3], $0x10, s26, s22, $0xb8;
	[tilespmem:$0xD940] =	vst v63  }
0x54: {  	s30 =	simm.s32 $0x280;
	s31 =	simm.s32 $0x3000  }
0x55: {  	[tilespmem:s31], [sflag:$0x2] =	stream.indirect.gather [spmem:s2], $0x10, s30, s22, $0xb8;
	[tilespmem:$0xD940] =	vst v63  }
0x56: {  	s7 =	simm.s32 $0x680;
	s8 =	simm.s32 $0x7000  }
0x57: {  	[tilespmem:s8], [sflag:$0x4] =	stream.indirect.gather [spmem:s3], $0x10, s7, s22, $0xb8;
	[tilespmem:$0xD940] =	vst v63  }
0x58: {  	s11 =	simm.s32 $0x300;
	s12 =	simm.s32 $0x3800  }
0x59: {  	[tilespmem:s12], [sflag:$0x2] =	stream.indirect.gather [spmem:s2], $0x10, s11, s22, $0xb8;
	[tilespmem:$0xD940] =	vst v63  }
0x5a: {  	s23 =	simm.s32 $0x700;
	s24 =	simm.s32 $0x7800  }
0x5b: {  	[tilespmem:s24], [sflag:$0x4] =	stream.indirect.gather [spmem:s3], $0x10, s23, s22, $0xb8;
	[tilespmem:$0xD940] =	vst v63  }
0x5c: {  	s28 =	simm.s32 $0x380;
	s29 =	simm.s32 $0x4000  }
0x5d: {  	[tilespmem:s29], [sflag:$0x2] =	stream.indirect.gather [spmem:s2], $0x10, s28, s22, $0xb8;
	[tilespmem:$0xD940] =	vst v63  }
0x5e: {  	s30 =	simm.s32 $0x780;
	s31 =	simm.s32 $0x8000;
	s23 =	simm.s32 $0x0  }
0x5f: {  	[tilespmem:s31], [sflag:$0x4] =	stream.indirect.gather [spmem:s3], $0x10, s30, s22, $0xb8;
	[tilespmem:$0xD940] =	vst v63  }
.LBB2_2:
0x60: {  	s30 =	sand.u32 $0x1, s23  }
0x61: {  	s24 =	sadd.s32 $0x1, s30  }
0x62: {  	_ =	swait.ge [sflag:s24], $0x800  }
0x63: {  	[sflag:s24] =	ssyncset.done $0x0  }
0x64: {  	s28 =	sadd.s32 $0x3, s30;
	[sflag:s24] =	ssyncadd.s32 $0xFFFFF800  }
0x65: {  	_ =	swait.ge [sflag:s28], $0x800  }
0x66: {  	[sflag:s28] =	ssyncset.done $0x0  }
0x67: {  	[sflag:s28] =	ssyncadd.s32 $0xFFFFF800  }
0x68: {  	_ =	swait.ge [sflag:s24], $0x800  }
0x69: {  	[sflag:s24] =	ssyncset.done $0x0  }
0x6a: {  	[sflag:s24] =	ssyncadd.s32 $0xFFFFF800  }
0x6b: {  	_ =	swait.ge [sflag:s28], $0x800  }
0x6c: {  	[sflag:s28] =	ssyncset.done $0x0  }
0x6d: {  	[sflag:s28] =	ssyncadd.s32 $0xFFFFF800  }
0x6e: {  	_ =	swait.ge [sflag:s24], $0x800  }
0x6f: {  	[sflag:s24] =	ssyncset.done $0x0  }
0x70: {  	[sflag:s24] =	ssyncadd.s32 $0xFFFFF800  }
0x71: {  	_ =	swait.ge [sflag:s28], $0x800  }
0x72: {  	s0 =	simm.s32 $0x0;
	[sflag:s28] =	ssyncset.done $0x0  }
0x73: {  	v18 =	vmov s0;
	[sflag:s28] =	ssyncadd.s32 $0xFFFFF800  }
0x74: {  	v18 =	vshll.u32 v18, $0x4;
	_ =	swait.ge [sflag:s24], $0x800  }
0x75: {  	v18 =	vor.u32 v0, v18;
	[sflag:s24] =	ssyncset.done $0x0  }
0x76: {  	[sflag:s24] =	ssyncadd.s32 $0xFFFFF800  }
0x77: {  	v19 =	vor.u32 $0x1, v18;
	_ =	swait.ge [sflag:s28], $0x800  }
0x78: {  	s29 =	sshll.u32 s30, $0xD;
	[sflag:s28] =	ssyncset.done $0x0  }
0x79: {  	s31 =	sor.u32 $0x4800, s29;
	v20 =	vor.u32 $0x2, v18;
	[sflag:s28] =	ssyncadd.s32 $0xFFFFF800  }
0x7a: {  	s0 =	sor.u32 $0x800, s29;
	v21 =	vld.idx.msk [tilespmem:v18+s31+$0x0], $0xffff  }
0x7b: {  	v23 =	vor.u32 $0x3, v18;
	v22 =	vld.idx.msk [tilespmem:v18+s0+$0x0], $0xffff  }
0x7c: {  	v24 =	vld.idx.msk [tilespmem:v19+s0+$0x0], $0xffff  }
0x7d: {  	v25 =	vor.u32 $0x4, v18;
	v19 =	vld.idx.msk [tilespmem:v19+s31+$0x0], $0xffff  }
0x7e: {  	v26 =	vld.idx.msk [tilespmem:v20+s0+$0x0], $0xffff  }
0x7f: {  	v27 =	vor.u32 $0x5, v18;
	v20 =	vld.idx.msk [tilespmem:v20+s31+$0x0], $0xffff  }
0x80: {  	v28 =	vld.idx.msk [tilespmem:v23+s0+$0x0], $0xffff  }
0x81: {  	v29 =	vor.u32 $0x6, v18;
	v23 =	vld.idx.msk [tilespmem:v23+s31+$0x0], $0xffff  }
0x82: {  	v30 =	vld.idx.msk [tilespmem:v25+s0+$0x0], $0xffff  }
0x83: {  	v31 =	vor.u32 $0x7, v18;
	v25 =	vld.idx.msk [tilespmem:v25+s31+$0x0], $0xffff  }
0x84: {  	v32 =	vld.idx.msk [tilespmem:v27+s0+$0x0], $0xffff  }
0x85: {  	v33 =	vor.u32 $0x8, v18;
	v27 =	vld.idx.msk [tilespmem:v27+s31+$0x0], $0xffff  }
0x86: {  	v34 =	vld.idx.msk [tilespmem:v29+s0+$0x0], $0xffff  }
0x87: {  	v35 =	vor.u32 $0x9, v18;
	v29 =	vld.idx.msk [tilespmem:v29+s31+$0x0], $0xffff  }
0x88: {  	v36 =	vld.idx.msk [tilespmem:v31+s0+$0x0], $0xffff  }
0x89: {  	v37 =	vor.u32 $0xA, v18;
	v31 =	vld.idx.msk [tilespmem:v31+s31+$0x0], $0xffff  }
0x8a: {  	v38 =	vld.idx.msk [tilespmem:v33+s0+$0x0], $0xffff  }
0x8b: {  	v39 =	vor.u32 $0xB, v18;
	v33 =	vld.idx.msk [tilespmem:v33+s31+$0x0], $0xffff  }
0x8c: {  	v40 =	vld.idx.msk [tilespmem:v35+s0+$0x0], $0xffff  }
0x8d: {  	v41 =	vor.u32 $0xC, v18;
	v35 =	vld.idx.msk [tilespmem:v35+s31+$0x0], $0xffff  }
0x8e: {  	v42 =	vld.idx.msk [tilespmem:v37+s0+$0x0], $0xffff  }
0x8f: {  	v43 =	vor.u32 $0xD, v18;
	v37 =	vld.idx.msk [tilespmem:v37+s31+$0x0], $0xffff  }
0x90: {  	v21 =	vadd.f32 v21, v22;
	v19 =	vadd.f32 v19, v24;
	v22 =	vld.idx.msk [tilespmem:v39+s0+$0x0], $0xffff;
	v24 =	vor.u32 $0xE, v18  }
0x91: {  	v18 =	vor.u32 $0xF, v18;
	v39 =	vld.idx.msk [tilespmem:v39+s31+$0x0], $0xffff;
	v20 =	vadd.f32 v20, v26;
	v23 =	vadd.f32 v23, v28  }
0x92: {  	v26 =	vld.idx.msk [tilespmem:v41+s0+$0x0], $0xffff;
	v25 =	vadd.f32 v25, v30;
	v21 =	vmax.f32 v21, $0.0e+00;
	v19 =	vmax.f32 v19, $0.0e+00  }
0x93: {  	v28 =	vld.idx.msk [tilespmem:v41+s31+$0x0], $0xffff;
	v27 =	vadd.f32 v27, v32;
	v21 =	vmul.f32 v21, v1;
	v19 =	vmul.f32 v19, v2  }
0x94: {  	v30 =	vld.idx.msk [tilespmem:v43+s0+$0x0], $0xffff;
	v29 =	vadd.f32 v29, v34;
	v33 =	vadd.f32 v33, v38;
	v20 =	vmax.f32 v20, $0.0e+00  }
0x95: {  	v23 =	vmax.f32 v23, $0.0e+00;
	v25 =	vmax.f32 v25, $0.0e+00;
	v19 =	vadd.f32 v19, v21;
	v21 =	vld.idx.msk [tilespmem:v43+s31+$0x0], $0xffff  }
0x96: {  	v27 =	vmax.f32 v27, $0.0e+00;
	v20 =	vmul.f32 v20, v3;
	v23 =	vmul.f32 v23, v4;
	v58 =	vld.idx.msk [tilespmem:v24+s0+$0x0], $0xffff  }
0x97: {  	v59 =	vadd.f32 v37, v42;
	v25 =	vmul.f32 v25, v5;
	v27 =	vmul.f32 v27, v6;
	v24 =	vld.idx.msk [tilespmem:v24+s31+$0x0], $0xffff  }
0x98: {  	v31 =	vadd.f32 v31, v36;
	v29 =	vmax.f32 v29, $0.0e+00;
	v20 =	vadd.f32 v23, v20;
	v23 =	vld.idx.msk [tilespmem:v18+s0+$0x0], $0xffff  }
0x99: {  	v33 =	vmax.f32 v33, $0.0e+00;
	v34 =	vmax.f32 v59, $0.0e+00;
	v25 =	vadd.f32 v27, v25;
	v18 =	vld.idx.msk [tilespmem:v18+s31+$0x0], $0xffff  }
0x9a: {  	v27 =	vmul.f32 v29, v7;
	v29 =	vmax.f32 v31, $0.0e+00;
	v31 =	vadd.f32 v35, v40  }
0x9b: {  	v33 =	vmul.f32 v33, v9;
	v22 =	vadd.f32 v39, v22;
	v26 =	vadd.f32 v28, v26  }
0x9c: {  	v28 =	vmul.f32 v34, v11;
	v29 =	vmul.f32 v29, v8;
	v31 =	vmax.f32 v31, $0.0e+00  }
0x9d: {  	v22 =	vmax.f32 v22, $0.0e+00;
	v26 =	vmax.f32 v26, $0.0e+00;
	v21 =	vadd.f32 v21, v30  }
0x9e: {  	v31 =	vmul.f32 v31, v10;
	v24 =	vadd.f32 v24, v58;
	v18 =	vadd.f32 v18, v23  }
0x9f: {  	v22 =	vmul.f32 v22, v12;
	v23 =	vmul.f32 v26, v13;
	v21 =	vmax.f32 v21, $0.0e+00  }
0xa0: {  	v24 =	vmax.f32 v24, $0.0e+00;
	v18 =	vmax.f32 v18, $0.0e+00;
	v21 =	vmul.f32 v21, v14  }
0xa1: {  	v26 =	vadd.f32 v29, v27;
	v24 =	vmul.f32 v24, v15;
	v18 =	vmul.f32 v18, v16  }
0xa2: {  	v27 =	vadd.f32 v31, v33;
	v22 =	vadd.f32 v22, v28  }
0xa3: {  	v21 =	vadd.f32 v21, v23;
	v18 =	vadd.f32 v18, v24  }
0xa4: {  	v19 =	vadd.f32 v20, v19;
	v20 =	vadd.f32 v26, v25  }
0xa5: {  	v22 =	vadd.f32 v22, v27;
	v18 =	vadd.f32 v18, v21  }
0xa6: {  	s7 =	simm.s32 $0x10  }
0xa7: {  	v19 =	vadd.f32 v20, v19;
	v21 =	vmov s7;
	v18 =	vadd.f32 v18, v22  }
0xa8: {  	v20 =	vshll.u32 v21, $0x4  }
0xa9: {  	v60 =	vor.u32 v0, v20;
	v18 =	vadd.f32 v18, v19;
	_ =	sdelay $0x1  }
0xaa: {  	v19 =	vor.u32 $0x1, v60;
	v18 =	vadd.f32 v18, v17  }
0xab: {  	s7 =	simm.s32 $0x8800  }
0xac: {  	v20 =	vor.u32 $0x2, v60;
	[tilespmem:s7+$0x0] =	vst v18  }
0xad: {  	v26 =	vld.idx.msk [tilespmem:v60+s31+$0x0], $0xffff  }
0xae: {  	v22 =	vor.u32 $0x8, v60;
	v29 =	vld.idx.msk [tilespmem:v60+s0+$0x0], $0xffff  }
0xaf: {  	v61 =	vld.idx.msk [tilespmem:v19+s0+$0x0], $0xffff  }
0xb0: {  	v23 =	vor.u32 $0x9, v60;
	v62 =	vld.idx.msk [tilespmem:v19+s31+$0x0], $0xffff  }
0xb1: {  	v18 =	vor.u32 $0x3, v60;
	v31 =	vld.idx.msk [tilespmem:v20+s0+$0x0], $0xffff  }
0xb2: {  	v34 =	vld.idx.msk [tilespmem:v20+s31+$0x0], $0xffff  }
0xb3: {  	v19 =	vor.u32 $0x4, v60;
	v21 =	vld.idx.msk [tilespmem:v22+s0+$0x0], $0xffff  }
0xb4: {  	v27 =	vld.idx.msk [tilespmem:v22+s31+$0x0], $0xffff  }
0xb5: {  	v20 =	vor.u32 $0x5, v60;
	v22 =	vld.idx.msk [tilespmem:v23+s31+$0x0], $0xffff  }
0xb6: {  	v30 =	vld.idx.msk [tilespmem:v18+s0+$0x0], $0xffff  }
0xb7: {  	v44 =	vor.u32 $0xB, v60;
	v33 =	vld.idx.msk [tilespmem:v18+s31+$0x0], $0xffff  }
0xb8: {  	v32 =	vld.idx.msk [tilespmem:v19+s0+$0x0], $0xffff  }
0xb9: {  	v18 =	vor.u32 $0x6, v60;
	v35 =	vld.idx.msk [tilespmem:v19+s31+$0x0], $0xffff  }
0xba: {  	v36 =	vld.idx.msk [tilespmem:v20+s0+$0x0], $0xffff  }
0xbb: {  	v37 =	vld.idx.msk [tilespmem:v20+s31+$0x0], $0xffff  }
0xbc: {  	v63 =	vor.u32 $0xA, v60;
	v42 =	vadd.f32 v26, v29;
	v26 =	vld.idx.msk [tilespmem:v44+s0+$0x0], $0xffff  }
0xbd: {  	v19 =	vor.u32 $0x7, v60;
	v29 =	vld.idx.msk [tilespmem:v44+s31+$0x0], $0xffff  }
0xbe: {  	v20 =	vld.idx.msk [tilespmem:v18+s0+$0x0], $0xffff  }
0xbf: {  	v24 =	vld.idx.msk [tilespmem:v18+s31+$0x0], $0xffff  }
0xc0: {  	v41 =	vor.u32 $0xC, v60;
	v18 =	vld.idx.msk [tilespmem:v23+s0+$0x0], $0xffff  }
0xc1: {  	v23 =	vld.idx.msk [tilespmem:v63+s31+$0x0], $0xffff  }
0xc2: {  	v40 =	vor.u32 $0xD, v60;
	v25 =	vld.idx.msk [tilespmem:v19+s0+$0x0], $0xffff  }
0xc3: {  	v43 =	vadd.f32 v62, v61;
	v28 =	vld.idx.msk [tilespmem:v19+s31+$0x0], $0xffff  }
0xc4: {  	s8 =	simm.s32 $0x20;
	v39 =	vor.u32 $0xE, v60;
	v38 =	vor.u32 $0xF, v60;
	v19 =	vld.idx.msk [tilespmem:v63+s0+$0x0], $0xffff  }
.LBB2_3:
0xc5: {  	p1 =	sne.s32 s8, $0x1F0;
	v42 =	vmax.f32 v42, $0.0e+00;
	v43 =	vmax.f32 v43, $0.0e+00;
	v31 =	vadd.f32 v34, v31;
	v34 =	vld.idx.msk [tilespmem:v41+s0+$0x0], $0xffff  }
0xc6: {  	v30 =	vadd.f32 v33, v30;
	v42 =	vmul.f32 v42, v1;
	v43 =	vmul.f32 v43, v2;
	v33 =	vld.idx.msk [tilespmem:v41+s31+$0x0], $0xffff  }
0xc7: {  	v32 =	vadd.f32 v35, v32;
	v35 =	vadd.f32 v37, v36;
	v31 =	vmax.f32 v31, $0.0e+00;
	v36 =	vld.idx.msk [tilespmem:v40+s0+$0x0], $0xffff  }
0xc8: {  	v30 =	vmax.f32 v30, $0.0e+00;
	v31 =	vmul.f32 v31, v3;
	v37 =	vld.idx.msk [tilespmem:v40+s31+$0x0], $0xffff;
	v40 =	vadd.f32 v43, v42  }
0xc9: {  	v32 =	vmax.f32 v32, $0.0e+00;
	v35 =	vmax.f32 v35, $0.0e+00;
	v30 =	vmul.f32 v30, v4;
	v41 =	vld.idx.msk [tilespmem:v39+s0+$0x0], $0xffff  }
0xca: {  	v20 =	vadd.f32 v24, v20;
	v32 =	vmul.f32 v32, v5;
	v35 =	vmul.f32 v35, v6;
	v24 =	vld.idx.msk [tilespmem:v39+s31+$0x0], $0xffff  }
0xcb: {  	v25 =	vadd.f32 v28, v25;
	v30 =	vadd.f32 v30, v31;
	v28 =	vld.idx.msk [tilespmem:v38+s0+$0x0], $0xffff  }
0xcc: {  	v21 =	vadd.f32 v27, v21;
	v20 =	vmax.f32 v20, $0.0e+00;
	v31 =	vadd.f32 v35, v32;
	v27 =	vld.idx.msk [tilespmem:v38+s31+$0x0], $0xffff  }
0xcd: {  	v18 =	vadd.f32 v22, v18;
	v25 =	vmax.f32 v25, $0.0e+00;
	v20 =	vmul.f32 v20, v7  }
0xce: {  	v21 =	vmax.f32 v21, $0.0e+00;
	v19 =	vadd.f32 v23, v19;
	v22 =	vmul.f32 v25, v8  }
0xcf: {  	v18 =	vmax.f32 v18, $0.0e+00;
	v21 =	vmul.f32 v21, v9;
	v23 =	vadd.f32 v29, v26  }
0xd0: {  	v18 =	vmul.f32 v18, v10;
	v19 =	vmax.f32 v19, $0.0e+00;
	v25 =	vadd.f32 v33, v34  }
0xd1: {  	v19 =	vmul.f32 v19, v11;
	v23 =	vmax.f32 v23, $0.0e+00;
	v26 =	vadd.f32 v37, v36  }
0xd2: {  	v25 =	vmax.f32 v25, $0.0e+00;
	v24 =	vadd.f32 v24, v41;
	v27 =	vadd.f32 v27, v28  }
0xd3: {  	v23 =	vmul.f32 v23, v12;
	v25 =	vmul.f32 v25, v13;
	v26 =	vmax.f32 v26, $0.0e+00  }
0xd4: {  	v26 =	vmul.f32 v26, v14;
	v24 =	vmax.f32 v24, $0.0e+00;
	v27 =	vmax.f32 v27, $0.0e+00  }
0xd5: {  	v20 =	vadd.f32 v22, v20;
	v24 =	vmul.f32 v24, v15;
	v27 =	vmul.f32 v27, v16  }
0xd6: {  	v18 =	vadd.f32 v18, v21;
	v19 =	vadd.f32 v23, v19  }
0xd7: {  	v21 =	vadd.f32 v26, v25;
	v22 =	vadd.f32 v27, v24  }
0xd8: {  	v20 =	vadd.f32 v20, v31;
	v23 =	vadd.f32 v30, v40  }
0xd9: {  	v18 =	vadd.f32 v19, v18;
	v19 =	vadd.f32 v22, v21;
	_ =	sdelay $0x1  }
0xda: {  	v20 =	vadd.f32 v20, v23;
	v21 =	vmov s8;
	v18 =	vadd.f32 v19, v18  }
0xdb: {  	v19 =	vshll.u32 v21, $0x4  }
0xdc: {  	v38 =	vor.u32 v0, v19;
	v18 =	vadd.f32 v18, v20;
	_ =	sdelay $0x1  }
0xdd: {  	v19 =	vor.u32 $0x1, v38;
	v18 =	vadd.f32 v18, v17  }
0xde: {  	s7 =	sadd.s32 $0x10, s7  }
0xdf: {  	v20 =	vor.u32 $0x2, v38;
	[tilespmem:s7+$0x0] =	vst v18  }
0xe0: {  	v26 =	vld.idx.msk [tilespmem:v38+s31+$0x0], $0xffff  }
0xe1: {  	v18 =	vor.u32 $0x3, v38;
	v29 =	vld.idx.msk [tilespmem:v38+s0+$0x0], $0xffff  }
0xe2: {  	v39 =	vld.idx.msk [tilespmem:v19+s0+$0x0], $0xffff  }
0xe3: {  	v43 =	vld.idx.msk [tilespmem:v19+s31+$0x0], $0xffff;
	v19 =	vor.u32 $0x4, v38  }
0xe4: {  	v31 =	vld.idx.msk [tilespmem:v20+s0+$0x0], $0xffff  }
0xe5: {  	v34 =	vld.idx.msk [tilespmem:v20+s31+$0x0], $0xffff;
	v20 =	vor.u32 $0x5, v38  }
0xe6: {  	v30 =	vld.idx.msk [tilespmem:v18+s0+$0x0], $0xffff  }
0xe7: {  	v33 =	vld.idx.msk [tilespmem:v18+s31+$0x0], $0xffff;
	v18 =	vor.u32 $0x6, v38  }
0xe8: {  	v32 =	vld.idx.msk [tilespmem:v19+s0+$0x0], $0xffff  }
0xe9: {  	v35 =	vld.idx.msk [tilespmem:v19+s31+$0x0], $0xffff;
	v19 =	vor.u32 $0x7, v38  }
0xea: {  	v36 =	vld.idx.msk [tilespmem:v20+s0+$0x0], $0xffff  }
0xeb: {  	v22 =	vor.u32 $0x8, v38;
	v37 =	vld.idx.msk [tilespmem:v20+s31+$0x0], $0xffff  }
0xec: {  	v20 =	vld.idx.msk [tilespmem:v18+s0+$0x0], $0xffff  }
0xed: {  	v23 =	vor.u32 $0x9, v38;
	v24 =	vld.idx.msk [tilespmem:v18+s31+$0x0], $0xffff  }
0xee: {  	v25 =	vld.idx.msk [tilespmem:v19+s0+$0x0], $0xffff  }
0xef: {  	v40 =	vor.u32 $0xA, v38;
	v28 =	vld.idx.msk [tilespmem:v19+s31+$0x0], $0xffff  }
0xf0: {  	v21 =	vld.idx.msk [tilespmem:v22+s0+$0x0], $0xffff  }
0xf1: {  	v44 =	vor.u32 $0xB, v38;
	v27 =	vld.idx.msk [tilespmem:v22+s31+$0x0], $0xffff  }
0xf2: {  	v18 =	vld.idx.msk [tilespmem:v23+s0+$0x0], $0xffff  }
.Ltmp0:
0xf3: {  	v41 =	vor.u32 $0xC, v38;
	v22 =	vld.idx.msk [tilespmem:v23+s31+$0x0], $0xffff;
	(pc) =	sbr.rel @p1 .LBB2_3-.Ltmp0, $4  }
0xf4: {  	v19 =	vld.idx.msk [tilespmem:v40+s0+$0x0], $0xffff  }
0xf5: {  	v23 =	vld.idx.msk [tilespmem:v40+s31+$0x0], $0xffff;
	v40 =	vor.u32 $0xD, v38  }
0xf6: {  	v42 =	vadd.f32 v26, v29;
	v43 =	vadd.f32 v43, v39;
	v26 =	vld.idx.msk [tilespmem:v44+s0+$0x0], $0xffff  }
0xf7: {  	s8 =	sadd.s32 $0x10, s8;
	v39 =	vor.u32 $0xE, v38;
	v38 =	vor.u32 $0xF, v38;
	v29 =	vld.idx.msk [tilespmem:v44+s31+$0x0], $0xffff  }
0xf8: {  	_ =	sdelay $0x2  }
0xf9: {  	v31 =	vadd.f32 v34, v31;
	v30 =	vadd.f32 v33, v30  }
0xfa: {  	v42 =	vmax.f32 v42, $0.0e+00;
	v63 =	vld.idx.msk [tilespmem:v41+s0+$0x0], $0xffff;
	v32 =	vadd.f32 v35, v32;
	v46 =	vadd.f32 v37, v36  }
0xfb: {  	v43 =	vmax.f32 v43, $0.0e+00;
	v45 =	vld.idx.msk [tilespmem:v41+s31+$0x0], $0xffff;
	v20 =	vadd.f32 v24, v20;
	v25 =	vadd.f32 v28, v25  }
0xfc: {  	v47 =	vld.idx.msk [tilespmem:v40+s0+$0x0], $0xffff;
	v21 =	vadd.f32 v27, v21;
	v18 =	vadd.f32 v22, v18;
	v42 =	vmul.f32 v42, v1  }
0xfd: {  	v49 =	vld.idx.msk [tilespmem:v40+s31+$0x0], $0xffff;
	v43 =	vmul.f32 v43, v2;
	v31 =	vmax.f32 v31, $0.0e+00;
	v30 =	vmax.f32 v30, $0.0e+00  }
0xfe: {  	v50 =	vld.idx.msk [tilespmem:v39+s0+$0x0], $0xffff;
	v32 =	vmax.f32 v32, $0.0e+00;
	v35 =	vmax.f32 v46, $0.0e+00;
	v20 =	vmax.f32 v20, $0.0e+00  }
0xff: {  	v51 =	vld.idx.msk [tilespmem:v39+s31+$0x0], $0xffff;
	v25 =	vmax.f32 v25, $0.0e+00;
	v21 =	vmax.f32 v21, $0.0e+00;
	v31 =	vmul.f32 v31, v3  }
0x100: {  	v53 =	vld.idx.msk [tilespmem:v38+s0+$0x0], $0xffff;
	v19 =	vadd.f32 v23, v19;
	v30 =	vmul.f32 v30, v4;
	v32 =	vmul.f32 v32, v5  }
0x101: {  	v55 =	vld.idx.msk [tilespmem:v38+s31+$0x0], $0xffff;
	v18 =	vmax.f32 v18, $0.0e+00;
	v35 =	vmul.f32 v35, v6;
	v20 =	vmul.f32 v20, v7  }
0x102: {  	v48 =	vadd.f32 v43, v42;
	v56 =	vmul.f32 v25, v8;
	v21 =	vmul.f32 v21, v9  }
0x103: {  	v18 =	vmul.f32 v18, v10;
	v57 =	vadd.f32 v29, v26;
	v52 =	vadd.f32 v30, v31  }
0x104: {  	v19 =	vmax.f32 v19, $0.0e+00;
	v54 =	vadd.f32 v35, v32;
	v58 =	vadd.f32 v45, v63  }
0x105: {  	v19 =	vmul.f32 v19, v11;
	v59 =	vadd.f32 v49, v47;
	v24 =	vadd.f32 v51, v50  }
0x106: {  	v60 =	vadd.f32 v55, v53;
	v23 =	vmax.f32 v57, $0.0e+00;
	v25 =	vmax.f32 v58, $0.0e+00  }
0x107: {  	v23 =	vmul.f32 v23, v12;
	v26 =	vmax.f32 v59, $0.0e+00;
	v24 =	vmax.f32 v24, $0.0e+00  }
0x108: {  	v29 =	vmax.f32 v60, $0.0e+00;
	v25 =	vmul.f32 v25, v13;
	v26 =	vmul.f32 v26, v14  }
0x109: {  	v20 =	vadd.f32 v56, v20;
	v24 =	vmul.f32 v24, v15;
	v29 =	vmul.f32 v29, v16  }
0x10a: {  	v18 =	vadd.f32 v18, v21;
	v19 =	vadd.f32 v23, v19  }
0x10b: {  	v61 =	vadd.f32 v26, v25;
	v62 =	vadd.f32 v29, v24  }
0x10c: {  	v63 =	vadd.f32 v52, v48;
	v20 =	vadd.f32 v20, v54  }
0x10d: {  	v18 =	vadd.f32 v19, v18;
	v19 =	vadd.f32 v62, v61;
	_ =	sdelay $0x1  }
0x10e: {  	v20 =	vadd.f32 v20, v63;
	v18 =	vadd.f32 v19, v18;
	_ =	sdelay $0x1  }
0x10f: {  	v18 =	vadd.f32 v18, v20  }
0x110: {  	s8 =	sshll.u32 s23, $0x9  }
0x111: {  	s11 =	sadd.s32 s10, s8;
	v18 =	vadd.f32 v18, v17  }
0x112: {  	s7 =	sadd.s32 $0x10, s7;
	s11 =	sshrl.u32 s11, $0x3  }
0x113: {  	p1 =	sgt.u32 s23, $0x11;
	s12 =	sadd.s32 s9, s11;
	[tilespmem:s7+$0x0] =	vst v18  }
0x114: {  	[hbm4b:s12+s4] =	stream.linear.scatter [tilespmem:s1], [sflag:$0x5], $0x200, $0x38;
	[tilespmem:$0xD940] =	vst v63  }
0x115: {  	s7 =	sadd.s32 @!p1 s8, s15;
	_ =	swait.ge [sflag:s20], $0x200  }
0x116: {  	s8 =	sshll.u32 @!p1 s30, $0x9;
	s7 =	sshrl.u32 @!p1 s7, $0x3;
	[sflag:s20] =	ssyncset.done $0x0  }
0x117: {  	s30 =	simm.s32 @!p1 $0x0;
	s11 =	sadd.s32 @!p1 s5, s7;
	[sflag:s20] =	ssyncadd.s32 $0xFFFFFE00  }
0x118: {  	[tilespmem:s8], [sflag:$0x5] =	stream.linear.gather @!p1 [hbm4b:s11+s30], $0x200, $0x38;
	[tilespmem:$0xD940] =	vst v63  }
0x119: {  	s11 =	simm.s32 @!p1 $0x5  }
0x11a: {  	_ =	swait.ge @!p1 [sflag:s11], $0x200  }
0x11b: {  	[sflag:s11] =	ssyncset.done @!p1 $0x0  }
0x11c: {  	s12 =	sor.u32 @!p1 $0x400, s8;
	s7 =	sadd.s32 @!p1 s6, s7;
	[sflag:s11] =	ssyncadd.s32 @!p1 $0xFFFFFE00  }
0x11d: {  	[tilespmem:s12], [sflag:$0x5] =	stream.linear.gather @!p1 [hbm4b:s7+s30], $0x200, $0x38;
	[tilespmem:$0xD940] =	vst v63  }
0x11e: {  	_ =	swait.ge @!p1 [sflag:s11], $0x200  }
0x11f: {  	[sflag:s11] =	ssyncset.done @!p1 $0x0  }
0x120: {  	s7 =	simm.s32 @!p1 $0x80;
	[sflag:s11] =	ssyncadd.s32 @!p1 $0xFFFFFE00  }
0x121: {  	[tilespmem:s0], [sflag:s24] =	stream.indirect.gather @!p1 [spmem:s2], $0x10, s8, s7, $0xb8;
	[tilespmem:$0xD940] =	vst v63  }
0x122: {  	_ = 	snop  }
0x123: {  	[tilespmem:s31], [sflag:s28] =	stream.indirect.gather @!p1 [spmem:s3], $0x10, s12, s7, $0xb8;
	[tilespmem:$0xD940] =	vst v63  }
0x124: {  	s11 =	sor.u32 @!p1 $0x80, s8;
	s0 =	sadd.s32 @!p1 $0x1000, s29  }
0x125: {  	[tilespmem:s0], [sflag:s24] =	stream.indirect.gather @!p1 [spmem:s2], $0x10, s11, s7, $0xb8;
	[tilespmem:$0xD940] =	vst v63  }
0x126: {  	s0 =	sadd.s32 @!p1 $0x5000, s29;
	s11 =	sor.u32 @!p1 $0x480, s8  }
0x127: {  	[tilespmem:s0], [sflag:s28] =	stream.indirect.gather @!p1 [spmem:s3], $0x10, s11, s7, $0xb8;
	[tilespmem:$0xD940] =	vst v63  }
0x128: {  	s0 =	sadd.s32 @!p1 $0x1800, s29;
	s11 =	sor.u32 @!p1 $0x100, s8  }
0x129: {  	[tilespmem:s0], [sflag:s24] =	stream.indirect.gather @!p1 [spmem:s2], $0x10, s11, s7, $0xb8;
	[tilespmem:$0xD940] =	vst v63  }
0x12a: {  	s0 =	sadd.s32 @!p1 $0x5800, s29;
	s11 =	sor.u32 @!p1 $0x500, s8  }
0x12b: {  	[tilespmem:s0], [sflag:s28] =	stream.indirect.gather @!p1 [spmem:s3], $0x10, s11, s7, $0xb8;
	[tilespmem:$0xD940] =	vst v63  }
0x12c: {  	s0 =	sadd.s32 @!p1 $0x2000, s29;
	s11 =	sor.u32 @!p1 $0x180, s8  }
0x12d: {  	[tilespmem:s0], [sflag:s24] =	stream.indirect.gather @!p1 [spmem:s2], $0x10, s11, s7, $0xb8;
	[tilespmem:$0xD940] =	vst v63  }
0x12e: {  	s23 =	sadd.s32 $0x1, s23;
	s8 =	sor.u32 @!p1 $0x580, s8;
	s0 =	sadd.s32 @!p1 $0x6000, s29  }
0x12f: {  	[tilespmem:s0], [sflag:s28] =	stream.indirect.gather @!p1 [spmem:s3], $0x10, s8, s7, $0xb8;
	[tilespmem:$0xD940] =	vst v63  }
0x130: {  	p1 =	sne.s32 s23, $0x14  }
.Ltmp1:
0x131: {  	_ = 	snop;
	(pc) =	sbr.rel @p1 .LBB2_2-.Ltmp1, $1  }
0x132: {  	_ =	sdelay $0x3  }
0x133: {  	s19 =	sadd.s32 $0x1, s19  }
0x134: {  	p1 =	sne.s32 s19, s16  }
.Ltmp2:
0x135: {  	_ = 	snop;
	(pc) =	sbr.rel @p1 .LBB2_1-.Ltmp2, $1  }
0x136: {  	_ =	sdelay $0x3  }
0x137: {  	_ =	sfence.sel $0x180000  }
0x138: {  	[bflag:$0x0] =	sbarrier.arrive $0xFFFF  }
0x139: {  	_ =	strace $0x90000047  }
0x13a: {  	[bflag:$0x2] =	sbarrier.arrive $0xFFFF  }
0x13b: {  	s0 =	rddreg [dreg:$0x4]  }
0x13c: {  	s0 =	sadd.s32 @!p0 $0x100000, s0  }
0x13d: {  	[sflag:s0] =	ssyncadd.tile.s32 @!p0 $0x1;
	_ =	shalt  }
.Lfunc_end2:
_tile_overlayer_lowered:
.L_overlay_start_2:
0x13e: {  	(tag) =	ssettag $0x2  }
0x13f: {  	s0 =	rddreg [dreg:$0x0];
	s2 =	stileid.u32  }
0x140: {  	s1 =	rddreg [dreg:$0x1];
	p0 =	sne.s32 s2, $0x0  }
0x141: {  	s3 =	rddreg [dreg:$0x2];
	[bflag:$0x3] =	sbarrier.arrive $0xFFFF;
	s2 =	simm.s32 @!p0 $0x1C05  }
0x142: {  	[timem:s3], [sflag:s2] =	dma.local @!p0 [hbm:s0], s1  }
0x143: {  	s0 =	simm.s32 @!p0 $0x5  }
0x144: {  	_ =	swait.ge @!p0 [sflag:s0], s1  }
0x145: {  	s1 =	ssub.s32 @!p0 $0x0, s1;
	[sflag:s0] =	ssyncset.done @!p0 $0x0  }
0x146: {  	[sflag:s0] =	ssyncadd.s32 @!p0 s1  }
0x147: {  	[bflag:$0x3] =	sbarrier.arrive $0xFFFF  }
0x148: {  	_ =	shalt  }

</sc_bundles>
